<compile_context>
chip_gen: v7x
topology: tpu7x:2x2x1
jax: 0.10.2.dev20260603
libtpu: 0.0.44.dev20260713+nightly
codegen_flags: <defaults>
</compile_context>

<pallas_src>
import functools

import jax
import jax.numpy as jnp
from jax import lax
from jax.experimental import pallas as pl
from jax.experimental.pallas import tpu as pltpu
from jax.experimental.pallas import tpu_sc as plsc

N = 10000
D = 128
E = 320000
NPAD = 10112
ROWS_PER_TILE = NPAD // 16
K = 128
NW = 32
CHUNKS = 79
EPW = CHUNKS * K
EPAD = NW * EPW


def _agg_body(h_hbm, src_hbm, dst_hbm, zeros_hbm, out_hbm,
              src_v, dst_v, rows_v, sem_g, acc):
    c = lax.axis_index("c")
    s = lax.axis_index("s")
    wid = s * 2 + c
    r0 = s * ROWS_PER_TILE
    pltpu.sync_copy(zeros_hbm.at[pl.ds(r0, ROWS_PER_TILE)],
                    acc.at[pl.ds(r0, ROWS_PER_TILE)])
    plsc.subcore_barrier()

    base = wid * EPW

    def body(i, carry):
        off = base + i * K
        pltpu.sync_copy(src_hbm.at[pl.ds(off, K)], src_v)
        pltpu.sync_copy(dst_hbm.at[pl.ds(off, K)], dst_v)
        pltpu.async_copy(h_hbm.at[src_v], rows_v, sem_g).wait()
        pltpu.sync_copy(rows_v, acc.at[dst_v], add=True)
        return carry

    lax.fori_loop(0, CHUNKS, body, 0)
    plsc.subcore_barrier()
    pltpu.sync_copy(acc.at[pl.ds(r0, ROWS_PER_TILE)],
                    out_hbm.at[c, pl.ds(r0, ROWS_PER_TILE)])


@functools.cache
def _make_agg():
    return pl.kernel(
        _agg_body,
        out_type=jax.ShapeDtypeStruct((2, NPAD, D), jnp.float32),
        mesh=plsc.VectorSubcoreMesh(core_axis_name="c", subcore_axis_name="s"),
        scratch_types=[
            pltpu.VMEM((K,), jnp.int32),
            pltpu.VMEM((K,), jnp.int32),
            pltpu.VMEM((K, D), jnp.float32),
            pltpu.SemaphoreType.DMA,
            pltpu.VMEM_SHARED((NPAD, D), jnp.float32),
        ],
    )


def _bn(z, g, b):
    mu = jnp.mean(z, axis=0, keepdims=True)
    var = jnp.mean((z - mu) ** 2, axis=0, keepdims=True)
    return (z - mu) * lax.rsqrt(var + 1e-5) * g + b


def _mlp(z, w1, b1, w2, b2):
    z = jnp.maximum(
        jnp.dot(z, w1, preferred_element_type=jnp.float32) + b1, 0.0)
    return jnp.dot(z, w2, preferred_element_type=jnp.float32) + b2


def _combine_body(h_ref, p_ref, z_ref):
    z_ref[...] = h_ref[...] + p_ref[0, :N, :] + p_ref[1, :N, :]


_combine = pl.pallas_call(
    _combine_body,
    out_shape=jax.ShapeDtypeStruct((N, D), jnp.float32),
)


def _layer_body(z_ref, w1_ref, b1_ref, w2_ref, b2_ref, g_ref, be_ref,
                out_ref, *, act):
    z = _mlp(z_ref[...], w1_ref[...], b1_ref[...], w2_ref[...], b2_ref[...])
    z = jnp.maximum(z, 0.0) if act == "relu" else jnp.tanh(z)
    out_ref[...] = _bn(z, g_ref[...], be_ref[...])


_layer = pl.pallas_call(
    functools.partial(_layer_body, act="relu"),
    out_shape=jax.ShapeDtypeStruct((N, D), jnp.float32),
)

_head = pl.pallas_call(
    functools.partial(_layer_body, act="tanh"),
    out_shape=jax.ShapeDtypeStruct((N, D), jnp.float32),
)


def kernel(x, edge_index, batch, W1, b1, W2, b2, gamma, beta):
    src = edge_index[0].astype(jnp.int32)
    dst = edge_index[1].astype(jnp.int32)
    pad = EPAD - E
    src_p = jnp.concatenate([src, jnp.zeros((pad,), jnp.int32)])
    dst_p = jnp.concatenate(
        [dst, N + (jnp.arange(pad, dtype=jnp.int32) % (NPAD - N))])
    zeros = jnp.zeros((NPAD, D), jnp.float32)

    b1r = b1.reshape(-1, 1, D)
    b2r = b2.reshape(-1, 1, D)
    gr = gamma.reshape(-1, 1, D)
    ber = beta.reshape(-1, 1, D)

    agg = _make_agg()
    h = x
    for i in range(3):
        p = agg(h, src_p, dst_p, zeros)
        z = _combine(h, p)
        h = _layer(z, W1[i], b1r[i], W2[i], b2r[i], gr[i], ber[i])
    p = agg(h, src_p, dst_p, zeros)
    z = _combine(h, p)
    return tuple(_head(z, W1[j], b1r[j], W2[j], b2r[j], gr[j], ber[j])
                 for j in range(3, 7))

# --- scband reference (transcript-rebuilt; emitter-appended) ---
"""Pipeline reference for scband-encoder-70282844831870 (READ-ONLY COPY).

The authoritative reference and input builder live on the scoring server;
editing this copy changes nothing except your own understanding.
"""

import jax, jax.numpy as jnp
import numpy as np

N = 10000
E = 320000
D = 128
NUM_GC_LAYERS = 3
L = NUM_GC_LAYERS + 4  # 7 GIN conv layers / batchnorms total


def setup_inputs(seed: int = 0) -> dict:
    key = jax.random.key(seed)
    ks = jax.random.split(key, 8)
    x = jax.random.normal(ks[0], (N, D), dtype=jnp.float32)
    edge_index = jax.random.randint(ks[1], (2, E), 0, N, dtype=jnp.int64)
    batch = jnp.sort(jax.random.randint(ks[2], (N,), 0, 128, dtype=jnp.int64))
    # GIN MLP params: Linear(D,D) -> ReLU -> Linear(D,D), stacked over L layers
    W1 = jax.random.normal(ks[3], (L, D, D), dtype=jnp.float32) * 0.05
    b1 = jnp.zeros((L, D), dtype=jnp.float32)
    W2 = jax.random.normal(ks[4], (L, D, D), dtype=jnp.float32) * 0.05
    b2 = jnp.zeros((L, D), dtype=jnp.float32)
    # BatchNorm1d affine params
    gamma = jnp.ones((L, D), dtype=jnp.float32)
    beta = jnp.zeros((L, D), dtype=jnp.float32)
    return {"x": x, "edge_index": edge_index, "batch": batch,
            "W1": W1, "b1": b1, "W2": W2, "b2": b2,
            "gamma": gamma, "beta": beta}


def _gin_conv(x, edge_index, w1, bb1, w2, bb2):
    # GINConv with eps=0: out = MLP(x + sum_{j in N(i)} x_j)
    src = edge_index[0]
    dst = edge_index[1]
    msgs = jnp.take(x, src, axis=0)                      # gather
    agg = jax.ops.segment_sum(msgs, dst, num_segments=x.shape[0])  # scatter-add
    h = x + agg
    h = jnp.maximum(h @ w1 + bb1, 0.0)
    h = h @ w2 + bb2
    return h


def _batch_norm(x, g, b, eps=1e-5):
    mu = jnp.mean(x, axis=0, keepdims=True)
    var = jnp.var(x, axis=0, keepdims=True)
    return (x - mu) / jnp.sqrt(var + eps) * g + b


def reference(x, edge_index, batch, W1, b1, W2, b2, gamma, beta):
    h = x
    for i in range(NUM_GC_LAYERS):
        h = jnp.maximum(_gin_conv(h, edge_index, W1[i], b1[i], W2[i], b2[i]), 0.0)
        h = _batch_norm(h, gamma[i], beta[i])
    j = NUM_GC_LAYERS
    node_mu = _batch_norm(jnp.tanh(_gin_conv(h, edge_index, W1[j], b1[j], W2[j], b2[j])), gamma[j], beta[j])
    node_logvar = _batch_norm(jnp.tanh(_gin_conv(h, edge_index, W1[j+1], b1[j+1], W2[j+1], b2[j+1])), gamma[j+1], beta[j+1])
    class_mu = _batch_norm(jnp.tanh(_gin_conv(h, edge_index, W1[j+2], b1[j+2], W2[j+2], b2[j+2])), gamma[j+2], beta[j+2])
    class_logvar = _batch_norm(jnp.tanh(_gin_conv(h, edge_index, W1[j+3], b1[j+3], W2[j+3], b2[j+3])), gamma[j+3], beta[j+3])
    return (node_mu, node_logvar, class_mu, class_logvar)

if __name__ == "__main__":
    import jax
    _d = setup_inputs()
    print(jax.jit(kernel)(*tuple(_d.values())))

</pallas_src>

<mosaic_0001>
#map = affine_map<(d0, d1) -> (0, 0)>
#map1 = affine_map<(d0, d1) -> (0)>
#map2 = affine_map<(d0, d1) -> (0, 0, 0)>
module attributes {stable_mosaic.version = 14 : i64} {
  func.func @_agg_body(%arg0: i32, %arg1: i32, %arg2: memref<10000x128xf32, #tpu.memory_space<hbm>>, %arg3: memref<323584xi32, #tpu.memory_space<hbm>>, %arg4: memref<323584xi32, #tpu.memory_space<hbm>>, %arg5: memref<10112x128xf32, #tpu.memory_space<hbm>>, %arg6: memref<2x10112x128xf32, #tpu.memory_space<hbm>>, %arg7: memref<128xi32, #tpu.memory_space<vmem>>, %arg8: memref<128xi32, #tpu.memory_space<vmem>>, %arg9: memref<128x128xf32, #tpu.memory_space<vmem>>, %arg10: memref<!tpu.dma_semaphore, #tpu.memory_space<semaphore_mem>>, %arg11: memref<10112x128xf32, #tpu.memory_space<vmem_shared>>) attributes {dimension_semantics = [#tpu.dimension_semantics<core_parallel>, #tpu.dimension_semantics<subcore_parallel>], iteration_bounds = array<i64: 2, 16>, scalar_prefetch = 0 : i64, scratch_operands = 5 : i64, tpu.core_type = #tpu.core_type<sc_vector_subcore>, window_params = [{transform_indices = #map}, {transform_indices = #map1}, {transform_indices = #map1}, {transform_indices = #map}, {transform_indices = #map2}]} {
    %mul3A = arith.constant 2 : i32
    %mul3A_0 = arith.muli %arg1, %mul3A : i32
    %add3A = arith.addi %mul3A_0, %arg0 : i32
    %mul3A_1 = arith.constant 632 : i32
    %mul3A_2 = arith.muli %arg1, %mul3A_1 : i32
    "tpu.region"() ({
      %run_scoped3A = tpu.sem_alloc : memref<!tpu.dma_semaphore, #tpu.memory_space<semaphore_mem>>
      %dma_start3A = arith.constant 0 : i32
      %dma_start3A_11 = tpu.memref_slice %arg11[%mul3A_2, %dma_start3A] : memref<10112x128xf32, #tpu.memory_space<vmem_shared>> -> memref<632x128xf32, #tpu.memory_space<vmem_shared>>
      %dma_start3A_12 = arith.constant 0 : i32
      %dma_start3A_13 = tpu.memref_slice %arg5[%mul3A_2, %dma_start3A_12] : memref<10112x128xf32, #tpu.memory_space<hbm>> -> memref<632x128xf32, #tpu.memory_space<hbm>>
      tpu.enqueue_dma source(%dma_start3A_13 : memref<632x128xf32, #tpu.memory_space<hbm>>) target(%dma_start3A_11 : memref<632x128xf32, #tpu.memory_space<vmem_shared>>) target_semaphore(%run_scoped3A : memref<!tpu.dma_semaphore, #tpu.memory_space<semaphore_mem>>)
      %dma_wait3A = arith.constant 0 : i32
      %dma_wait3A_14 = tpu.memref_slice %arg11[%mul3A_2, %dma_wait3A] : memref<10112x128xf32, #tpu.memory_space<vmem_shared>> -> memref<632x128xf32, #tpu.memory_space<vmem_shared>>
      %dma_wait3A_15 = arith.constant 0 : i32
      %dma_wait3A_16 = tpu.memref_slice %arg5[%mul3A_2, %dma_wait3A_15] : memref<10112x128xf32, #tpu.memory_space<hbm>> -> memref<632x128xf32, #tpu.memory_space<hbm>>
      tpu.wait_dma2 semaphore(%run_scoped3A : memref<!tpu.dma_semaphore, #tpu.memory_space<semaphore_mem>>) src(%dma_wait3A_16 : memref<632x128xf32, #tpu.memory_space<hbm>>) dst(%dma_wait3A_14 : memref<632x128xf32, #tpu.memory_space<vmem_shared>>)
      tpu.yield
    }) : () -> ()
    %barrier3A = arith.constant 0 : index
    tpu.barrier barrier_id(%barrier3A)
    %mul3A_3 = arith.constant 10112 : i32
    %mul3A_4 = arith.muli %add3A, %mul3A_3 : i32
    %scan3A = arith.constant 0 : i32
    %scan3A_5 = arith.constant 0 : i32
    %scan3A_6 = arith.constant 79 : i32
    %scan3A_7 = arith.addi %scan3A_5, %scan3A_6 : i32
    %scan3A_8 = arith.constant 1 : i32
    scf.for %scan3A_11 = %scan3A_5 to %scan3A_7 step %scan3A_8  : i32 {
      %mul3A_12 = arith.constant 128 : i32
      %mul3A_13 = arith.muli %scan3A_11, %mul3A_12 : i32
      %add3A_14 = arith.addi %mul3A_4, %mul3A_13 : i32
      "tpu.region"() ({
        %run_scoped3A = tpu.sem_alloc : memref<!tpu.dma_semaphore, #tpu.memory_space<semaphore_mem>>
        %dma_start3A_19 = tpu.memref_slice %arg3[%add3A_14] : memref<323584xi32, #tpu.memory_space<hbm>> -> memref<128xi32, #tpu.memory_space<hbm>>
        %dma_start3A_20 = tpu.memref_slice %arg3[%add3A_14] : memref<323584xi32, #tpu.memory_space<hbm>> -> memref<128xi32, #tpu.memory_space<hbm>>
        tpu.enqueue_dma source(%dma_start3A_20 : memref<128xi32, #tpu.memory_space<hbm>>) target(%arg7 : memref<128xi32, #tpu.memory_space<vmem>>) target_semaphore(%run_scoped3A : memref<!tpu.dma_semaphore, #tpu.memory_space<semaphore_mem>>)
        %dma_wait3A_21 = tpu.memref_slice %arg3[%add3A_14] : memref<323584xi32, #tpu.memory_space<hbm>> -> memref<128xi32, #tpu.memory_space<hbm>>
        %dma_wait3A_22 = tpu.memref_slice %arg3[%add3A_14] : memref<323584xi32, #tpu.memory_space<hbm>> -> memref<128xi32, #tpu.memory_space<hbm>>
        tpu.wait_dma2 semaphore(%run_scoped3A : memref<!tpu.dma_semaphore, #tpu.memory_space<semaphore_mem>>) src(%dma_wait3A_22 : memref<128xi32, #tpu.memory_space<hbm>>) dst(%arg7 : memref<128xi32, #tpu.memory_space<vmem>>)
        tpu.yield
      }) : () -> ()
      "tpu.region"() ({
        %run_scoped3A = tpu.sem_alloc : memref<!tpu.dma_semaphore, #tpu.memory_space<semaphore_mem>>
        %dma_start3A_19 = tpu.memref_slice %arg4[%add3A_14] : memref<323584xi32, #tpu.memory_space<hbm>> -> memref<128xi32, #tpu.memory_space<hbm>>
        %dma_start3A_20 = tpu.memref_slice %arg4[%add3A_14] : memref<323584xi32, #tpu.memory_space<hbm>> -> memref<128xi32, #tpu.memory_space<hbm>>
        tpu.enqueue_dma source(%dma_start3A_20 : memref<128xi32, #tpu.memory_space<hbm>>) target(%arg8 : memref<128xi32, #tpu.memory_space<vmem>>) target_semaphore(%run_scoped3A : memref<!tpu.dma_semaphore, #tpu.memory_space<semaphore_mem>>)
        %dma_wait3A_21 = tpu.memref_slice %arg4[%add3A_14] : memref<323584xi32, #tpu.memory_space<hbm>> -> memref<128xi32, #tpu.memory_space<hbm>>
        %dma_wait3A_22 = tpu.memref_slice %arg4[%add3A_14] : memref<323584xi32, #tpu.memory_space<hbm>> -> memref<128xi32, #tpu.memory_space<hbm>>
        tpu.wait_dma2 semaphore(%run_scoped3A : memref<!tpu.dma_semaphore, #tpu.memory_space<semaphore_mem>>) src(%dma_wait3A_22 : memref<128xi32, #tpu.memory_space<hbm>>) dst(%arg8 : memref<128xi32, #tpu.memory_space<vmem>>)
        tpu.yield
      }) : () -> ()
      %dma_start3A = arith.constant 0 : i32
      %dma_start3A_15 = arith.constant 0 : i32
      %dma_start3A_16 = tpu.memref_slice %arg2[%dma_start3A, %dma_start3A_15] : memref<10000x128xf32, #tpu.memory_space<hbm>> -> memref<10000x128xf32, #tpu.memory_space<hbm>>
      tpu.enqueue_indirect_dma source(%dma_start3A_16 : memref<10000x128xf32, #tpu.memory_space<hbm>>) target(%arg9 : memref<128x128xf32, #tpu.memory_space<vmem>>) offsets(%arg7 : memref<128xi32, #tpu.memory_space<vmem>>) semaphore(%arg10 : memref<!tpu.dma_semaphore, #tpu.memory_space<semaphore_mem>>)
      %dma_wait3A = arith.constant 0 : i32
      %dma_wait3A_17 = arith.constant 0 : i32
      %dma_wait3A_18 = tpu.memref_slice %arg2[%dma_wait3A, %dma_wait3A_17] : memref<10000x128xf32, #tpu.memory_space<hbm>> -> memref<10000x128xf32, #tpu.memory_space<hbm>>
      tpu.wait_indirect_dma semaphore(%arg10 : memref<!tpu.dma_semaphore, #tpu.memory_space<semaphore_mem>>) src(%dma_wait3A_18 : memref<10000x128xf32, #tpu.memory_space<hbm>>) dst(%arg9 : memref<128x128xf32, #tpu.memory_space<vmem>>)
      "tpu.region"() ({
        %run_scoped3A = tpu.sem_alloc : memref<!tpu.dma_semaphore, #tpu.memory_space<semaphore_mem>>
        %dma_start3A_19 = arith.constant 0 : i32
        %dma_start3A_20 = arith.constant 0 : i32
        %dma_start3A_21 = tpu.memref_slice %arg11[%dma_start3A_19, %dma_start3A_20] : memref<10112x128xf32, #tpu.memory_space<vmem_shared>> -> memref<10112x128xf32, #tpu.memory_space<vmem_shared>>
        tpu.enqueue_indirect_dma source(%arg9 : memref<128x128xf32, #tpu.memory_space<vmem>>) target(%dma_start3A_21 : memref<10112x128xf32, #tpu.memory_space<vmem_shared>>) offsets(%arg8 : memref<128xi32, #tpu.memory_space<vmem>>) semaphore(%run_scoped3A : memref<!tpu.dma_semaphore, #tpu.memory_space<semaphore_mem>>) {add = true}
        %dma_wait3A_22 = arith.constant 0 : i32
        %dma_wait3A_23 = arith.constant 0 : i32
        %dma_wait3A_24 = tpu.memref_slice %arg11[%dma_wait3A_22, %dma_wait3A_23] : memref<10112x128xf32, #tpu.memory_space<vmem_shared>> -> memref<10112x128xf32, #tpu.memory_space<vmem_shared>>
        tpu.wait_indirect_dma semaphore(%run_scoped3A : memref<!tpu.dma_semaphore, #tpu.memory_space<semaphore_mem>>) src(%arg9 : memref<128x128xf32, #tpu.memory_space<vmem>>) dst(%dma_wait3A_24 : memref<10112x128xf32, #tpu.memory_space<vmem_shared>>)
        tpu.yield
      }) : () -> ()
    }
    %scan3A_9 = arith.constant 79 : i32
    %barrier3A_10 = arith.constant 0 : index
    tpu.barrier barrier_id(%barrier3A_10)
    "tpu.region"() ({
      %run_scoped3A = tpu.sem_alloc : memref<!tpu.dma_semaphore, #tpu.memory_space<semaphore_mem>>
      %dma_start3A = arith.constant 0 : i32
      %dma_start3A_11 = tpu.memref_slice %arg6[%arg0, %mul3A_2, %dma_start3A] : memref<2x10112x128xf32, #tpu.memory_space<hbm>> -> memref<1x632x128xf32, #tpu.memory_space<hbm>>
      %dma_start3A_12 = tpu.memref_squeeze %dma_start3A_11 : memref<1x632x128xf32, #tpu.memory_space<hbm>> -> memref<632x128xf32, #tpu.memory_space<hbm>>
      %dma_start3A_13 = arith.constant 0 : i32
      %dma_start3A_14 = tpu.memref_slice %arg11[%mul3A_2, %dma_start3A_13] : memref<10112x128xf32, #tpu.memory_space<vmem_shared>> -> memref<632x128xf32, #tpu.memory_space<vmem_shared>>
      tpu.enqueue_dma source(%dma_start3A_14 : memref<632x128xf32, #tpu.memory_space<vmem_shared>>) target(%dma_start3A_12 : memref<632x128xf32, #tpu.memory_space<hbm>>) target_semaphore(%run_scoped3A : memref<!tpu.dma_semaphore, #tpu.memory_space<semaphore_mem>>)
      %dma_wait3A = arith.constant 0 : i32
      %dma_wait3A_15 = tpu.memref_slice %arg6[%arg0, %mul3A_2, %dma_wait3A] : memref<2x10112x128xf32, #tpu.memory_space<hbm>> -> memref<1x632x128xf32, #tpu.memory_space<hbm>>
      %dma_wait3A_16 = tpu.memref_squeeze %dma_wait3A_15 : memref<1x632x128xf32, #tpu.memory_space<hbm>> -> memref<632x128xf32, #tpu.memory_space<hbm>>
      %dma_wait3A_17 = arith.constant 0 : i32
      %dma_wait3A_18 = tpu.memref_slice %arg11[%mul3A_2, %dma_wait3A_17] : memref<10112x128xf32, #tpu.memory_space<vmem_shared>> -> memref<632x128xf32, #tpu.memory_space<vmem_shared>>
      tpu.wait_dma2 semaphore(%run_scoped3A : memref<!tpu.dma_semaphore, #tpu.memory_space<semaphore_mem>>) src(%dma_wait3A_18 : memref<632x128xf32, #tpu.memory_space<vmem_shared>>) dst(%dma_wait3A_16 : memref<632x128xf32, #tpu.memory_space<hbm>>)
      tpu.yield
    }) : () -> ()
    return
  }
}

#map = affine_map<(d0, d1) -> (0, 0)>
#map1 = affine_map<(d0, d1) -> (0)>
#map2 = affine_map<(d0, d1) -> (0, 0, 0)>
module attributes {stable_mosaic.version = 14 : i64} {
  func.func @_agg_body(%arg0: i32, %arg1: i32, %arg2: memref<10000x128xf32, #tpu.memory_space<hbm>>, %arg3: memref<323584xi32, #tpu.memory_space<hbm>>, %arg4: memref<323584xi32, #tpu.memory_space<hbm>>, %arg5: memref<10112x128xf32, #tpu.memory_space<hbm>>, %arg6: memref<2x10112x128xf32, #tpu.memory_space<hbm>>, %arg7: memref<128xi32, #tpu.memory_space<vmem>>, %arg8: memref<128xi32, #tpu.memory_space<vmem>>, %arg9: memref<128x128xf32, #tpu.memory_space<vmem>>, %arg10: memref<!tpu.dma_semaphore, #tpu.memory_space<semaphore_mem>>, %arg11: memref<10112x128xf32, #tpu.memory_space<vmem_shared>>) attributes {dimension_semantics = [#tpu.dimension_semantics<core_parallel>, #tpu.dimension_semantics<subcore_parallel>], iteration_bounds = array<i64: 2, 16>, scalar_prefetch = 0 : i64, scratch_operands = 5 : i64, tpu.core_type = #tpu.core_type<sc_vector_subcore>, window_params = [{transform_indices = #map}, {transform_indices = #map1}, {transform_indices = #map1}, {transform_indices = #map}, {transform_indices = #map2}]} {
    %mul3A = arith.constant 2 : i32
    %mul3A_0 = arith.muli %arg1, %mul3A : i32
    %add3A = arith.addi %mul3A_0, %arg0 : i32
    %mul3A_1 = arith.constant 632 : i32
    %mul3A_2 = arith.muli %arg1, %mul3A_1 : i32
    "tpu.region"() ({
      %run_scoped3A = tpu.sem_alloc : memref<!tpu.dma_semaphore, #tpu.memory_space<semaphore_mem>>
      %dma_start3A = arith.constant 0 : i32
      %dma_start3A_11 = tpu.memref_slice %arg11[%mul3A_2, %dma_start3A] : memref<10112x128xf32, #tpu.memory_space<vmem_shared>> -> memref<632x128xf32, #tpu.memory_space<vmem_shared>>
      %dma_start3A_12 = arith.constant 0 : i32
      %dma_start3A_13 = tpu.memref_slice %arg5[%mul3A_2, %dma_start3A_12] : memref<10112x128xf32, #tpu.memory_space<hbm>> -> memref<632x128xf32, #tpu.memory_space<hbm>>
      tpu.enqueue_dma source(%dma_start3A_13 : memref<632x128xf32, #tpu.memory_space<hbm>>) target(%dma_start3A_11 : memref<632x128xf32, #tpu.memory_space<vmem_shared>>) target_semaphore(%run_scoped3A : memref<!tpu.dma_semaphore, #tpu.memory_space<semaphore_mem>>)
      %dma_wait3A = arith.constant 0 : i32
      %dma_wait3A_14 = tpu.memref_slice %arg11[%mul3A_2, %dma_wait3A] : memref<10112x128xf32, #tpu.memory_space<vmem_shared>> -> memref<632x128xf32, #tpu.memory_space<vmem_shared>>
      %dma_wait3A_15 = arith.constant 0 : i32
      %dma_wait3A_16 = tpu.memref_slice %arg5[%mul3A_2, %dma_wait3A_15] : memref<10112x128xf32, #tpu.memory_space<hbm>> -> memref<632x128xf32, #tpu.memory_space<hbm>>
      tpu.wait_dma2 semaphore(%run_scoped3A : memref<!tpu.dma_semaphore, #tpu.memory_space<semaphore_mem>>) src(%dma_wait3A_16 : memref<632x128xf32, #tpu.memory_space<hbm>>) dst(%dma_wait3A_14 : memref<632x128xf32, #tpu.memory_space<vmem_shared>>)
      tpu.yield
    }) : () -> ()
    %barrier3A = arith.constant 0 : index
    tpu.barrier barrier_id(%barrier3A)
    %mul3A_3 = arith.constant 10112 : i32
    %mul3A_4 = arith.muli %add3A, %mul3A_3 : i32
    %scan3A = arith.constant 0 : i32
    %scan3A_5 = arith.constant 0 : i32
    %scan3A_6 = arith.constant 79 : i32
    %scan3A_7 = arith.addi %scan3A_5, %scan3A_6 : i32
    %scan3A_8 = arith.constant 1 : i32
    scf.for %scan3A_11 = %scan3A_5 to %scan3A_7 step %scan3A_8  : i32 {
      %mul3A_12 = arith.constant 128 : i32
      %mul3A_13 = arith.muli %scan3A_11, %mul3A_12 : i32
      %add3A_14 = arith.addi %mul3A_4, %mul3A_13 : i32
      "tpu.region"() ({
        %run_scoped3A = tpu.sem_alloc : memref<!tpu.dma_semaphore, #tpu.memory_space<semaphore_mem>>
        %dma_start3A_19 = tpu.memref_slice %arg3[%add3A_14] : memref<323584xi32, #tpu.memory_space<hbm>> -> memref<128xi32, #tpu.memory_space<hbm>>
        %dma_start3A_20 = tpu.memref_slice %arg3[%add3A_14] : memref<323584xi32, #tpu.memory_space<hbm>> -> memref<128xi32, #tpu.memory_space<hbm>>
        tpu.enqueue_dma source(%dma_start3A_20 : memref<128xi32, #tpu.memory_space<hbm>>) target(%arg7 : memref<128xi32, #tpu.memory_space<vmem>>) target_semaphore(%run_scoped3A : memref<!tpu.dma_semaphore, #tpu.memory_space<semaphore_mem>>)
        %dma_wait3A_21 = tpu.memref_slice %arg3[%add3A_14] : memref<323584xi32, #tpu.memory_space<hbm>> -> memref<128xi32, #tpu.memory_space<hbm>>
        %dma_wait3A_22 = tpu.memref_slice %arg3[%add3A_14] : memref<323584xi32, #tpu.memory_space<hbm>> -> memref<128xi32, #tpu.memory_space<hbm>>
        tpu.wait_dma2 semaphore(%run_scoped3A : memref<!tpu.dma_semaphore, #tpu.memory_space<semaphore_mem>>) src(%dma_wait3A_22 : memref<128xi32, #tpu.memory_space<hbm>>) dst(%arg7 : memref<128xi32, #tpu.memory_space<vmem>>)
        tpu.yield
      }) : () -> ()
      "tpu.region"() ({
        %run_scoped3A = tpu.sem_alloc : memref<!tpu.dma_semaphore, #tpu.memory_space<semaphore_mem>>
        %dma_start3A_19 = tpu.memref_slice %arg4[%add3A_14] : memref<323584xi32, #tpu.memory_space<hbm>> -> memref<128xi32, #tpu.memory_space<hbm>>
        %dma_start3A_20 = tpu.memref_slice %arg4[%add3A_14] : memref<323584xi32, #tpu.memory_space<hbm>> -> memref<128xi32, #tpu.memory_space<hbm>>
        tpu.enqueue_dma source(%dma_start3A_20 : memref<128xi32, #tpu.memory_space<hbm>>) target(%arg8 : memref<128xi32, #tpu.memory_space<vmem>>) target_semaphore(%run_scoped3A : memref<!tpu.dma_semaphore, #tpu.memory_space<semaphore_mem>>)
        %dma_wait3A_21 = tpu.memref_slice %arg4[%add3A_14] : memref<323584xi32, #tpu.memory_space<hbm>> -> memref<128xi32, #tpu.memory_space<hbm>>
        %dma_wait3A_22 = tpu.memref_slice %arg4[%add3A_14] : memref<323584xi32, #tpu.memory_space<hbm>> -> memref<128xi32, #tpu.memory_space<hbm>>
        tpu.wait_dma2 semaphore(%run_scoped3A : memref<!tpu.dma_semaphore, #tpu.memory_space<semaphore_mem>>) src(%dma_wait3A_22 : memref<128xi32, #tpu.memory_space<hbm>>) dst(%arg8 : memref<128xi32, #tpu.memory_space<vmem>>)
        tpu.yield
      }) : () -> ()
      %dma_start3A = arith.constant 0 : i32
      %dma_start3A_15 = arith.constant 0 : i32
      %dma_start3A_16 = tpu.memref_slice %arg2[%dma_start3A, %dma_start3A_15] : memref<10000x128xf32, #tpu.memory_space<hbm>> -> memref<10000x128xf32, #tpu.memory_space<hbm>>
      tpu.enqueue_indirect_dma source(%dma_start3A_16 : memref<10000x128xf32, #tpu.memory_space<hbm>>) target(%arg9 : memref<128x128xf32, #tpu.memory_space<vmem>>) offsets(%arg7 : memref<128xi32, #tpu.memory_space<vmem>>) semaphore(%arg10 : memref<!tpu.dma_semaphore, #tpu.memory_space<semaphore_mem>>)
      %dma_wait3A = arith.constant 0 : i32
      %dma_wait3A_17 = arith.constant 0 : i32
      %dma_wait3A_18 = tpu.memref_slice %arg2[%dma_wait3A, %dma_wait3A_17] : memref<10000x128xf32, #tpu.memory_space<hbm>> -> memref<10000x128xf32, #tpu.memory_space<hbm>>
      tpu.wait_indirect_dma semaphore(%arg10 : memref<!tpu.dma_semaphore, #tpu.memory_space<semaphore_mem>>) src(%dma_wait3A_18 : memref<10000x128xf32, #tpu.memory_space<hbm>>) dst(%arg9 : memref<128x128xf32, #tpu.memory_space<vmem>>)
      "tpu.region"() ({
        %run_scoped3A = tpu.sem_alloc : memref<!tpu.dma_semaphore, #tpu.memory_space<semaphore_mem>>
        %dma_start3A_19 = arith.constant 0 : i32
        %dma_start3A_20 = arith.constant 0 : i32
        %dma_start3A_21 = tpu.memref_slice %arg11[%dma_start3A_19, %dma_start3A_20] : memref<10112x128xf32, #tpu.memory_space<vmem_shared>> -> memref<10112x128xf32, #tpu.memory_space<vmem_shared>>
        tpu.enqueue_indirect_dma source(%arg9 : memref<128x128xf32, #tpu.memory_space<vmem>>) target(%dma_start3A_21 : memref<10112x128xf32, #tpu.memory_space<vmem_shared>>) offsets(%arg8 : memref<128xi32, #tpu.memory_space<vmem>>) semaphore(%run_scoped3A : memref<!tpu.dma_semaphore, #tpu.memory_space<semaphore_mem>>) {add = true}
        %dma_wait3A_22 = arith.constant 0 : i32
        %dma_wait3A_23 = arith.constant 0 : i32
        %dma_wait3A_24 = tpu.memref_slice %arg11[%dma_wait3A_22, %dma_wait3A_23] : memref<10112x128xf32, #tpu.memory_space<vmem_shared>> -> memref<10112x128xf32, #tpu.memory_space<vmem_shared>>
        tpu.wait_indirect_dma semaphore(%run_scoped3A : memref<!tpu.dma_semaphore, #tpu.memory_space<semaphore_mem>>) src(%arg9 : memref<128x128xf32, #tpu.memory_space<vmem>>) dst(%dma_wait3A_24 : memref<10112x128xf32, #tpu.memory_space<vmem_shared>>)
        tpu.yield
      }) : () -> ()
    }
    %scan3A_9 = arith.constant 79 : i32
    %barrier3A_10 = arith.constant 0 : index
    tpu.barrier barrier_id(%barrier3A_10)
    "tpu.region"() ({
      %run_scoped3A = tpu.sem_alloc : memref<!tpu.dma_semaphore, #tpu.memory_space<semaphore_mem>>
      %dma_start3A = arith.constant 0 : i32
      %dma_start3A_11 = tpu.memref_slice %arg6[%arg0, %mul3A_2, %dma_start3A] : memref<2x10112x128xf32, #tpu.memory_space<hbm>> -> memref<1x632x128xf32, #tpu.memory_space<hbm>>
      %dma_start3A_12 = tpu.memref_squeeze %dma_start3A_11 : memref<1x632x128xf32, #tpu.memory_space<hbm>> -> memref<632x128xf32, #tpu.memory_space<hbm>>
      %dma_start3A_13 = arith.constant 0 : i32
      %dma_start3A_14 = tpu.memref_slice %arg11[%mul3A_2, %dma_start3A_13] : memref<10112x128xf32, #tpu.memory_space<vmem_shared>> -> memref<632x128xf32, #tpu.memory_space<vmem_shared>>
      tpu.enqueue_dma source(%dma_start3A_14 : memref<632x128xf32, #tpu.memory_space<vmem_shared>>) target(%dma_start3A_12 : memref<632x128xf32, #tpu.memory_space<hbm>>) target_semaphore(%run_scoped3A : memref<!tpu.dma_semaphore, #tpu.memory_space<semaphore_mem>>)
      %dma_wait3A = arith.constant 0 : i32
      %dma_wait3A_15 = tpu.memref_slice %arg6[%arg0, %mul3A_2, %dma_wait3A] : memref<2x10112x128xf32, #tpu.memory_space<hbm>> -> memref<1x632x128xf32, #tpu.memory_space<hbm>>
      %dma_wait3A_16 = tpu.memref_squeeze %dma_wait3A_15 : memref<1x632x128xf32, #tpu.memory_space<hbm>> -> memref<632x128xf32, #tpu.memory_space<hbm>>
      %dma_wait3A_17 = arith.constant 0 : i32
      %dma_wait3A_18 = tpu.memref_slice %arg11[%mul3A_2, %dma_wait3A_17] : memref<10112x128xf32, #tpu.memory_space<vmem_shared>> -> memref<632x128xf32, #tpu.memory_space<vmem_shared>>
      tpu.wait_dma2 semaphore(%run_scoped3A : memref<!tpu.dma_semaphore, #tpu.memory_space<semaphore_mem>>) src(%dma_wait3A_18 : memref<632x128xf32, #tpu.memory_space<vmem_shared>>) dst(%dma_wait3A_16 : memref<632x128xf32, #tpu.memory_space<hbm>>)
      tpu.yield
    }) : () -> ()
    return
  }
}

#map = affine_map<(d0, d1) -> (0, 0)>
#map1 = affine_map<(d0, d1) -> (0)>
#map2 = affine_map<(d0, d1) -> (0, 0, 0)>
module attributes {stable_mosaic.version = 14 : i64} {
  func.func @_agg_body(%arg0: i32, %arg1: i32, %arg2: memref<10000x128xf32, #tpu.memory_space<hbm>>, %arg3: memref<323584xi32, #tpu.memory_space<hbm>>, %arg4: memref<323584xi32, #tpu.memory_space<hbm>>, %arg5: memref<10112x128xf32, #tpu.memory_space<hbm>>, %arg6: memref<2x10112x128xf32, #tpu.memory_space<hbm>>, %arg7: memref<128xi32, #tpu.memory_space<vmem>>, %arg8: memref<128xi32, #tpu.memory_space<vmem>>, %arg9: memref<128x128xf32, #tpu.memory_space<vmem>>, %arg10: memref<!tpu.dma_semaphore, #tpu.memory_space<semaphore_mem>>, %arg11: memref<10112x128xf32, #tpu.memory_space<vmem_shared>>) attributes {dimension_semantics = [#tpu.dimension_semantics<core_parallel>, #tpu.dimension_semantics<subcore_parallel>], iteration_bounds = array<i64: 2, 16>, scalar_prefetch = 0 : i64, scratch_operands = 5 : i64, tpu.core_type = #tpu.core_type<sc_vector_subcore>, window_params = [{transform_indices = #map}, {transform_indices = #map1}, {transform_indices = #map1}, {transform_indices = #map}, {transform_indices = #map2}]} {
    %mul3A = arith.constant 2 : i32
    %mul3A_0 = arith.muli %arg1, %mul3A : i32
    %add3A = arith.addi %mul3A_0, %arg0 : i32
    %mul3A_1 = arith.constant 632 : i32
    %mul3A_2 = arith.muli %arg1, %mul3A_1 : i32
    "tpu.region"() ({
      %run_scoped3A = tpu.sem_alloc : memref<!tpu.dma_semaphore, #tpu.memory_space<semaphore_mem>>
      %dma_start3A = arith.constant 0 : i32
      %dma_start3A_11 = tpu.memref_slice %arg11[%mul3A_2, %dma_start3A] : memref<10112x128xf32, #tpu.memory_space<vmem_shared>> -> memref<632x128xf32, #tpu.memory_space<vmem_shared>>
      %dma_start3A_12 = arith.constant 0 : i32
      %dma_start3A_13 = tpu.memref_slice %arg5[%mul3A_2, %dma_start3A_12] : memref<10112x128xf32, #tpu.memory_space<hbm>> -> memref<632x128xf32, #tpu.memory_space<hbm>>
      tpu.enqueue_dma source(%dma_start3A_13 : memref<632x128xf32, #tpu.memory_space<hbm>>) target(%dma_start3A_11 : memref<632x128xf32, #tpu.memory_space<vmem_shared>>) target_semaphore(%run_scoped3A : memref<!tpu.dma_semaphore, #tpu.memory_space<semaphore_mem>>)
      %dma_wait3A = arith.constant 0 : i32
      %dma_wait3A_14 = tpu.memref_slice %arg11[%mul3A_2, %dma_wait3A] : memref<10112x128xf32, #tpu.memory_space<vmem_shared>> -> memref<632x128xf32, #tpu.memory_space<vmem_shared>>
      %dma_wait3A_15 = arith.constant 0 : i32
      %dma_wait3A_16 = tpu.memref_slice %arg5[%mul3A_2, %dma_wait3A_15] : memref<10112x128xf32, #tpu.memory_space<hbm>> -> memref<632x128xf32, #tpu.memory_space<hbm>>
      tpu.wait_dma2 semaphore(%run_scoped3A : memref<!tpu.dma_semaphore, #tpu.memory_space<semaphore_mem>>) src(%dma_wait3A_16 : memref<632x128xf32, #tpu.memory_space<hbm>>) dst(%dma_wait3A_14 : memref<632x128xf32, #tpu.memory_space<vmem_shared>>)
      tpu.yield
    }) : () -> ()
    %barrier3A = arith.constant 0 : index
    tpu.barrier barrier_id(%barrier3A)
    %mul3A_3 = arith.constant 10112 : i32
    %mul3A_4 = arith.muli %add3A, %mul3A_3 : i32
    %scan3A = arith.constant 0 : i32
    %scan3A_5 = arith.constant 0 : i32
    %scan3A_6 = arith.constant 79 : i32
    %scan3A_7 = arith.addi %scan3A_5, %scan3A_6 : i32
    %scan3A_8 = arith.constant 1 : i32
    scf.for %scan3A_11 = %scan3A_5 to %scan3A_7 step %scan3A_8  : i32 {
      %mul3A_12 = arith.constant 128 : i32
      %mul3A_13 = arith.muli %scan3A_11, %mul3A_12 : i32
      %add3A_14 = arith.addi %mul3A_4, %mul3A_13 : i32
      "tpu.region"() ({
        %run_scoped3A = tpu.sem_alloc : memref<!tpu.dma_semaphore, #tpu.memory_space<semaphore_mem>>
        %dma_start3A_19 = tpu.memref_slice %arg3[%add3A_14] : memref<323584xi32, #tpu.memory_space<hbm>> -> memref<128xi32, #tpu.memory_space<hbm>>
        %dma_start3A_20 = tpu.memref_slice %arg3[%add3A_14] : memref<323584xi32, #tpu.memory_space<hbm>> -> memref<128xi32, #tpu.memory_space<hbm>>
        tpu.enqueue_dma source(%dma_start3A_20 : memref<128xi32, #tpu.memory_space<hbm>>) target(%arg7 : memref<128xi32, #tpu.memory_space<vmem>>) target_semaphore(%run_scoped3A : memref<!tpu.dma_semaphore, #tpu.memory_space<semaphore_mem>>)
        %dma_wait3A_21 = tpu.memref_slice %arg3[%add3A_14] : memref<323584xi32, #tpu.memory_space<hbm>> -> memref<128xi32, #tpu.memory_space<hbm>>
        %dma_wait3A_22 = tpu.memref_slice %arg3[%add3A_14] : memref<323584xi32, #tpu.memory_space<hbm>> -> memref<128xi32, #tpu.memory_space<hbm>>
        tpu.wait_dma2 semaphore(%run_scoped3A : memref<!tpu.dma_semaphore, #tpu.memory_space<semaphore_mem>>) src(%dma_wait3A_22 : memref<128xi32, #tpu.memory_space<hbm>>) dst(%arg7 : memref<128xi32, #tpu.memory_space<vmem>>)
        tpu.yield
      }) : () -> ()
      "tpu.region"() ({
        %run_scoped3A = tpu.sem_alloc : memref<!tpu.dma_semaphore, #tpu.memory_space<semaphore_mem>>
        %dma_start3A_19 = tpu.memref_slice %arg4[%add3A_14] : memref<323584xi32, #tpu.memory_space<hbm>> -> memref<128xi32, #tpu.memory_space<hbm>>
        %dma_start3A_20 = tpu.memref_slice %arg4[%add3A_14] : memref<323584xi32, #tpu.memory_space<hbm>> -> memref<128xi32, #tpu.memory_space<hbm>>
        tpu.enqueue_dma source(%dma_start3A_20 : memref<128xi32, #tpu.memory_space<hbm>>) target(%arg8 : memref<128xi32, #tpu.memory_space<vmem>>) target_semaphore(%run_scoped3A : memref<!tpu.dma_semaphore, #tpu.memory_space<semaphore_mem>>)
        %dma_wait3A_21 = tpu.memref_slice %arg4[%add3A_14] : memref<323584xi32, #tpu.memory_space<hbm>> -> memref<128xi32, #tpu.memory_space<hbm>>
        %dma_wait3A_22 = tpu.memref_slice %arg4[%add3A_14] : memref<323584xi32, #tpu.memory_space<hbm>> -> memref<128xi32, #tpu.memory_space<hbm>>
        tpu.wait_dma2 semaphore(%run_scoped3A : memref<!tpu.dma_semaphore, #tpu.memory_space<semaphore_mem>>) src(%dma_wait3A_22 : memref<128xi32, #tpu.memory_space<hbm>>) dst(%arg8 : memref<128xi32, #tpu.memory_space<vmem>>)
        tpu.yield
      }) : () -> ()
      %dma_start3A = arith.constant 0 : i32
      %dma_start3A_15 = arith.constant 0 : i32
      %dma_start3A_16 = tpu.memref_slice %arg2[%dma_start3A, %dma_start3A_15] : memref<10000x128xf32, #tpu.memory_space<hbm>> -> memref<10000x128xf32, #tpu.memory_space<hbm>>
      tpu.enqueue_indirect_dma source(%dma_start3A_16 : memref<10000x128xf32, #tpu.memory_space<hbm>>) target(%arg9 : memref<128x128xf32, #tpu.memory_space<vmem>>) offsets(%arg7 : memref<128xi32, #tpu.memory_space<vmem>>) semaphore(%arg10 : memref<!tpu.dma_semaphore, #tpu.memory_space<semaphore_mem>>)
      %dma_wait3A = arith.constant 0 : i32
      %dma_wait3A_17 = arith.constant 0 : i32
      %dma_wait3A_18 = tpu.memref_slice %arg2[%dma_wait3A, %dma_wait3A_17] : memref<10000x128xf32, #tpu.memory_space<hbm>> -> memref<10000x128xf32, #tpu.memory_space<hbm>>
      tpu.wait_indirect_dma semaphore(%arg10 : memref<!tpu.dma_semaphore, #tpu.memory_space<semaphore_mem>>) src(%dma_wait3A_18 : memref<10000x128xf32, #tpu.memory_space<hbm>>) dst(%arg9 : memref<128x128xf32, #tpu.memory_space<vmem>>)
      "tpu.region"() ({
        %run_scoped3A = tpu.sem_alloc : memref<!tpu.dma_semaphore, #tpu.memory_space<semaphore_mem>>
        %dma_start3A_19 = arith.constant 0 : i32
        %dma_start3A_20 = arith.constant 0 : i32
        %dma_start3A_21 = tpu.memref_slice %arg11[%dma_start3A_19, %dma_start3A_20] : memref<10112x128xf32, #tpu.memory_space<vmem_shared>> -> memref<10112x128xf32, #tpu.memory_space<vmem_shared>>
        tpu.enqueue_indirect_dma source(%arg9 : memref<128x128xf32, #tpu.memory_space<vmem>>) target(%dma_start3A_21 : memref<10112x128xf32, #tpu.memory_space<vmem_shared>>) offsets(%arg8 : memref<128xi32, #tpu.memory_space<vmem>>) semaphore(%run_scoped3A : memref<!tpu.dma_semaphore, #tpu.memory_space<semaphore_mem>>) {add = true}
        %dma_wait3A_22 = arith.constant 0 : i32
        %dma_wait3A_23 = arith.constant 0 : i32
        %dma_wait3A_24 = tpu.memref_slice %arg11[%dma_wait3A_22, %dma_wait3A_23] : memref<10112x128xf32, #tpu.memory_space<vmem_shared>> -> memref<10112x128xf32, #tpu.memory_space<vmem_shared>>
        tpu.wait_indirect_dma semaphore(%run_scoped3A : memref<!tpu.dma_semaphore, #tpu.memory_space<semaphore_mem>>) src(%arg9 : memref<128x128xf32, #tpu.memory_space<vmem>>) dst(%dma_wait3A_24 : memref<10112x128xf32, #tpu.memory_space<vmem_shared>>)
        tpu.yield
      }) : () -> ()
    }
    %scan3A_9 = arith.constant 79 : i32
    %barrier3A_10 = arith.constant 0 : index
    tpu.barrier barrier_id(%barrier3A_10)
    "tpu.region"() ({
      %run_scoped3A = tpu.sem_alloc : memref<!tpu.dma_semaphore, #tpu.memory_space<semaphore_mem>>
      %dma_start3A = arith.constant 0 : i32
      %dma_start3A_11 = tpu.memref_slice %arg6[%arg0, %mul3A_2, %dma_start3A] : memref<2x10112x128xf32, #tpu.memory_space<hbm>> -> memref<1x632x128xf32, #tpu.memory_space<hbm>>
      %dma_start3A_12 = tpu.memref_squeeze %dma_start3A_11 : memref<1x632x128xf32, #tpu.memory_space<hbm>> -> memref<632x128xf32, #tpu.memory_space<hbm>>
      %dma_start3A_13 = arith.constant 0 : i32
      %dma_start3A_14 = tpu.memref_slice %arg11[%mul3A_2, %dma_start3A_13] : memref<10112x128xf32, #tpu.memory_space<vmem_shared>> -> memref<632x128xf32, #tpu.memory_space<vmem_shared>>
      tpu.enqueue_dma source(%dma_start3A_14 : memref<632x128xf32, #tpu.memory_space<vmem_shared>>) target(%dma_start3A_12 : memref<632x128xf32, #tpu.memory_space<hbm>>) target_semaphore(%run_scoped3A : memref<!tpu.dma_semaphore, #tpu.memory_space<semaphore_mem>>)
      %dma_wait3A = arith.constant 0 : i32
      %dma_wait3A_15 = tpu.memref_slice %arg6[%arg0, %mul3A_2, %dma_wait3A] : memref<2x10112x128xf32, #tpu.memory_space<hbm>> -> memref<1x632x128xf32, #tpu.memory_space<hbm>>
      %dma_wait3A_16 = tpu.memref_squeeze %dma_wait3A_15 : memref<1x632x128xf32, #tpu.memory_space<hbm>> -> memref<632x128xf32, #tpu.memory_space<hbm>>
      %dma_wait3A_17 = arith.constant 0 : i32
      %dma_wait3A_18 = tpu.memref_slice %arg11[%mul3A_2, %dma_wait3A_17] : memref<10112x128xf32, #tpu.memory_space<vmem_shared>> -> memref<632x128xf32, #tpu.memory_space<vmem_shared>>
      tpu.wait_dma2 semaphore(%run_scoped3A : memref<!tpu.dma_semaphore, #tpu.memory_space<semaphore_mem>>) src(%dma_wait3A_18 : memref<632x128xf32, #tpu.memory_space<vmem_shared>>) dst(%dma_wait3A_16 : memref<632x128xf32, #tpu.memory_space<hbm>>)
      tpu.yield
    }) : () -> ()
    return
  }
}

#map = affine_map<(d0, d1) -> (0, 0)>
#map1 = affine_map<(d0, d1) -> (0)>
#map2 = affine_map<(d0, d1) -> (0, 0, 0)>
module attributes {stable_mosaic.version = 14 : i64} {
  func.func @_agg_body(%arg0: i32, %arg1: i32, %arg2: memref<10000x128xf32, #tpu.memory_space<hbm>>, %arg3: memref<323584xi32, #tpu.memory_space<hbm>>, %arg4: memref<323584xi32, #tpu.memory_space<hbm>>, %arg5: memref<10112x128xf32, #tpu.memory_space<hbm>>, %arg6: memref<2x10112x128xf32, #tpu.memory_space<hbm>>, %arg7: memref<128xi32, #tpu.memory_space<vmem>>, %arg8: memref<128xi32, #tpu.memory_space<vmem>>, %arg9: memref<128x128xf32, #tpu.memory_space<vmem>>, %arg10: memref<!tpu.dma_semaphore, #tpu.memory_space<semaphore_mem>>, %arg11: memref<10112x128xf32, #tpu.memory_space<vmem_shared>>) attributes {dimension_semantics = [#tpu.dimension_semantics<core_parallel>, #tpu.dimension_semantics<subcore_parallel>], iteration_bounds = array<i64: 2, 16>, scalar_prefetch = 0 : i64, scratch_operands = 5 : i64, tpu.core_type = #tpu.core_type<sc_vector_subcore>, window_params = [{transform_indices = #map}, {transform_indices = #map1}, {transform_indices = #map1}, {transform_indices = #map}, {transform_indices = #map2}]} {
    %mul3A = arith.constant 2 : i32
    %mul3A_0 = arith.muli %arg1, %mul3A : i32
    %add3A = arith.addi %mul3A_0, %arg0 : i32
    %mul3A_1 = arith.constant 632 : i32
    %mul3A_2 = arith.muli %arg1, %mul3A_1 : i32
    "tpu.region"() ({
      %run_scoped3A = tpu.sem_alloc : memref<!tpu.dma_semaphore, #tpu.memory_space<semaphore_mem>>
      %dma_start3A = arith.constant 0 : i32
      %dma_start3A_11 = tpu.memref_slice %arg11[%mul3A_2, %dma_start3A] : memref<10112x128xf32, #tpu.memory_space<vmem_shared>> -> memref<632x128xf32, #tpu.memory_space<vmem_shared>>
      %dma_start3A_12 = arith.constant 0 : i32
      %dma_start3A_13 = tpu.memref_slice %arg5[%mul3A_2, %dma_start3A_12] : memref<10112x128xf32, #tpu.memory_space<hbm>> -> memref<632x128xf32, #tpu.memory_space<hbm>>
      tpu.enqueue_dma source(%dma_start3A_13 : memref<632x128xf32, #tpu.memory_space<hbm>>) target(%dma_start3A_11 : memref<632x128xf32, #tpu.memory_space<vmem_shared>>) target_semaphore(%run_scoped3A : memref<!tpu.dma_semaphore, #tpu.memory_space<semaphore_mem>>)
      %dma_wait3A = arith.constant 0 : i32
      %dma_wait3A_14 = tpu.memref_slice %arg11[%mul3A_2, %dma_wait3A] : memref<10112x128xf32, #tpu.memory_space<vmem_shared>> -> memref<632x128xf32, #tpu.memory_space<vmem_shared>>
      %dma_wait3A_15 = arith.constant 0 : i32
      %dma_wait3A_16 = tpu.memref_slice %arg5[%mul3A_2, %dma_wait3A_15] : memref<10112x128xf32, #tpu.memory_space<hbm>> -> memref<632x128xf32, #tpu.memory_space<hbm>>
      tpu.wait_dma2 semaphore(%run_scoped3A : memref<!tpu.dma_semaphore, #tpu.memory_space<semaphore_mem>>) src(%dma_wait3A_16 : memref<632x128xf32, #tpu.memory_space<hbm>>) dst(%dma_wait3A_14 : memref<632x128xf32, #tpu.memory_space<vmem_shared>>)
      tpu.yield
    }) : () -> ()
    %barrier3A = arith.constant 0 : index
    tpu.barrier barrier_id(%barrier3A)
    %mul3A_3 = arith.constant 10112 : i32
    %mul3A_4 = arith.muli %add3A, %mul3A_3 : i32
    %scan3A = arith.constant 0 : i32
    %scan3A_5 = arith.constant 0 : i32
    %scan3A_6 = arith.constant 79 : i32
    %scan3A_7 = arith.addi %scan3A_5, %scan3A_6 : i32
    %scan3A_8 = arith.constant 1 : i32
    scf.for %scan3A_11 = %scan3A_5 to %scan3A_7 step %scan3A_8  : i32 {
      %mul3A_12 = arith.constant 128 : i32
      %mul3A_13 = arith.muli %scan3A_11, %mul3A_12 : i32
      %add3A_14 = arith.addi %mul3A_4, %mul3A_13 : i32
      "tpu.region"() ({
        %run_scoped3A = tpu.sem_alloc : memref<!tpu.dma_semaphore, #tpu.memory_space<semaphore_mem>>
        %dma_start3A_19 = tpu.memref_slice %arg3[%add3A_14] : memref<323584xi32, #tpu.memory_space<hbm>> -> memref<128xi32, #tpu.memory_space<hbm>>
        %dma_start3A_20 = tpu.memref_slice %arg3[%add3A_14] : memref<323584xi32, #tpu.memory_space<hbm>> -> memref<128xi32, #tpu.memory_space<hbm>>
        tpu.enqueue_dma source(%dma_start3A_20 : memref<128xi32, #tpu.memory_space<hbm>>) target(%arg7 : memref<128xi32, #tpu.memory_space<vmem>>) target_semaphore(%run_scoped3A : memref<!tpu.dma_semaphore, #tpu.memory_space<semaphore_mem>>)
        %dma_wait3A_21 = tpu.memref_slice %arg3[%add3A_14] : memref<323584xi32, #tpu.memory_space<hbm>> -> memref<128xi32, #tpu.memory_space<hbm>>
        %dma_wait3A_22 = tpu.memref_slice %arg3[%add3A_14] : memref<323584xi32, #tpu.memory_space<hbm>> -> memref<128xi32, #tpu.memory_space<hbm>>
        tpu.wait_dma2 semaphore(%run_scoped3A : memref<!tpu.dma_semaphore, #tpu.memory_space<semaphore_mem>>) src(%dma_wait3A_22 : memref<128xi32, #tpu.memory_space<hbm>>) dst(%arg7 : memref<128xi32, #tpu.memory_space<vmem>>)
        tpu.yield
      }) : () -> ()
      "tpu.region"() ({
        %run_scoped3A = tpu.sem_alloc : memref<!tpu.dma_semaphore, #tpu.memory_space<semaphore_mem>>
        %dma_start3A_19 = tpu.memref_slice %arg4[%add3A_14] : memref<323584xi32, #tpu.memory_space<hbm>> -> memref<128xi32, #tpu.memory_space<hbm>>
        %dma_start3A_20 = tpu.memref_slice %arg4[%add3A_14] : memref<323584xi32, #tpu.memory_space<hbm>> -> memref<128xi32, #tpu.memory_space<hbm>>
        tpu.enqueue_dma source(%dma_start3A_20 : memref<128xi32, #tpu.memory_space<hbm>>) target(%arg8 : memref<128xi32, #tpu.memory_space<vmem>>) target_semaphore(%run_scoped3A : memref<!tpu.dma_semaphore, #tpu.memory_space<semaphore_mem>>)
        %dma_wait3A_21 = tpu.memref_slice %arg4[%add3A_14] : memref<323584xi32, #tpu.memory_space<hbm>> -> memref<128xi32, #tpu.memory_space<hbm>>
        %dma_wait3A_22 = tpu.memref_slice %arg4[%add3A_14] : memref<323584xi32, #tpu.memory_space<hbm>> -> memref<128xi32, #tpu.memory_space<hbm>>
        tpu.wait_dma2 semaphore(%run_scoped3A : memref<!tpu.dma_semaphore, #tpu.memory_space<semaphore_mem>>) src(%dma_wait3A_22 : memref<128xi32, #tpu.memory_space<hbm>>) dst(%arg8 : memref<128xi32, #tpu.memory_space<vmem>>)
        tpu.yield
      }) : () -> ()
      %dma_start3A = arith.constant 0 : i32
      %dma_start3A_15 = arith.constant 0 : i32
      %dma_start3A_16 = tpu.memref_slice %arg2[%dma_start3A, %dma_start3A_15] : memref<10000x128xf32, #tpu.memory_space<hbm>> -> memref<10000x128xf32, #tpu.memory_space<hbm>>
      tpu.enqueue_indirect_dma source(%dma_start3A_16 : memref<10000x128xf32, #tpu.memory_space<hbm>>) target(%arg9 : memref<128x128xf32, #tpu.memory_space<vmem>>) offsets(%arg7 : memref<128xi32, #tpu.memory_space<vmem>>) semaphore(%arg10 : memref<!tpu.dma_semaphore, #tpu.memory_space<semaphore_mem>>)
      %dma_wait3A = arith.constant 0 : i32
      %dma_wait3A_17 = arith.constant 0 : i32
      %dma_wait3A_18 = tpu.memref_slice %arg2[%dma_wait3A, %dma_wait3A_17] : memref<10000x128xf32, #tpu.memory_space<hbm>> -> memref<10000x128xf32, #tpu.memory_space<hbm>>
      tpu.wait_indirect_dma semaphore(%arg10 : memref<!tpu.dma_semaphore, #tpu.memory_space<semaphore_mem>>) src(%dma_wait3A_18 : memref<10000x128xf32, #tpu.memory_space<hbm>>) dst(%arg9 : memref<128x128xf32, #tpu.memory_space<vmem>>)
      "tpu.region"() ({
        %run_scoped3A = tpu.sem_alloc : memref<!tpu.dma_semaphore, #tpu.memory_space<semaphore_mem>>
        %dma_start3A_19 = arith.constant 0 : i32
        %dma_start3A_20 = arith.constant 0 : i32
        %dma_start3A_21 = tpu.memref_slice %arg11[%dma_start3A_19, %dma_start3A_20] : memref<10112x128xf32, #tpu.memory_space<vmem_shared>> -> memref<10112x128xf32, #tpu.memory_space<vmem_shared>>
        tpu.enqueue_indirect_dma source(%arg9 : memref<128x128xf32, #tpu.memory_space<vmem>>) target(%dma_start3A_21 : memref<10112x128xf32, #tpu.memory_space<vmem_shared>>) offsets(%arg8 : memref<128xi32, #tpu.memory_space<vmem>>) semaphore(%run_scoped3A : memref<!tpu.dma_semaphore, #tpu.memory_space<semaphore_mem>>) {add = true}
        %dma_wait3A_22 = arith.constant 0 : i32
        %dma_wait3A_23 = arith.constant 0 : i32
        %dma_wait3A_24 = tpu.memref_slice %arg11[%dma_wait3A_22, %dma_wait3A_23] : memref<10112x128xf32, #tpu.memory_space<vmem_shared>> -> memref<10112x128xf32, #tpu.memory_space<vmem_shared>>
        tpu.wait_indirect_dma semaphore(%run_scoped3A : memref<!tpu.dma_semaphore, #tpu.memory_space<semaphore_mem>>) src(%arg9 : memref<128x128xf32, #tpu.memory_space<vmem>>) dst(%dma_wait3A_24 : memref<10112x128xf32, #tpu.memory_space<vmem_shared>>)
        tpu.yield
      }) : () -> ()
    }
    %scan3A_9 = arith.constant 79 : i32
    %barrier3A_10 = arith.constant 0 : index
    tpu.barrier barrier_id(%barrier3A_10)
    "tpu.region"() ({
      %run_scoped3A = tpu.sem_alloc : memref<!tpu.dma_semaphore, #tpu.memory_space<semaphore_mem>>
      %dma_start3A = arith.constant 0 : i32
      %dma_start3A_11 = tpu.memref_slice %arg6[%arg0, %mul3A_2, %dma_start3A] : memref<2x10112x128xf32, #tpu.memory_space<hbm>> -> memref<1x632x128xf32, #tpu.memory_space<hbm>>
      %dma_start3A_12 = tpu.memref_squeeze %dma_start3A_11 : memref<1x632x128xf32, #tpu.memory_space<hbm>> -> memref<632x128xf32, #tpu.memory_space<hbm>>
      %dma_start3A_13 = arith.constant 0 : i32
      %dma_start3A_14 = tpu.memref_slice %arg11[%mul3A_2, %dma_start3A_13] : memref<10112x128xf32, #tpu.memory_space<vmem_shared>> -> memref<632x128xf32, #tpu.memory_space<vmem_shared>>
      tpu.enqueue_dma source(%dma_start3A_14 : memref<632x128xf32, #tpu.memory_space<vmem_shared>>) target(%dma_start3A_12 : memref<632x128xf32, #tpu.memory_space<hbm>>) target_semaphore(%run_scoped3A : memref<!tpu.dma_semaphore, #tpu.memory_space<semaphore_mem>>)
      %dma_wait3A = arith.constant 0 : i32
      %dma_wait3A_15 = tpu.memref_slice %arg6[%arg0, %mul3A_2, %dma_wait3A] : memref<2x10112x128xf32, #tpu.memory_space<hbm>> -> memref<1x632x128xf32, #tpu.memory_space<hbm>>
      %dma_wait3A_16 = tpu.memref_squeeze %dma_wait3A_15 : memref<1x632x128xf32, #tpu.memory_space<hbm>> -> memref<632x128xf32, #tpu.memory_space<hbm>>
      %dma_wait3A_17 = arith.constant 0 : i32
      %dma_wait3A_18 = tpu.memref_slice %arg11[%mul3A_2, %dma_wait3A_17] : memref<10112x128xf32, #tpu.memory_space<vmem_shared>> -> memref<632x128xf32, #tpu.memory_space<vmem_shared>>
      tpu.wait_dma2 semaphore(%run_scoped3A : memref<!tpu.dma_semaphore, #tpu.memory_space<semaphore_mem>>) src(%dma_wait3A_18 : memref<632x128xf32, #tpu.memory_space<vmem_shared>>) dst(%dma_wait3A_16 : memref<632x128xf32, #tpu.memory_space<hbm>>)
      tpu.yield
    }) : () -> ()
    return
  }
}

module attributes {stable_mosaic.version = 14 : i64} {
  func.func @_layer_body(%arg0: memref<10000x128xf32, #tpu.memory_space<vmem>>, %arg1: memref<128x128xf32, #tpu.memory_space<vmem>>, %arg2: memref<1x128xf32, #tpu.memory_space<vmem>>, %arg3: memref<128x128xf32, #tpu.memory_space<vmem>>, %arg4: memref<1x128xf32, #tpu.memory_space<vmem>>, %arg5: memref<1x128xf32, #tpu.memory_space<vmem>>, %arg6: memref<1x128xf32, #tpu.memory_space<vmem>>, %arg7: memref<10000x128xf32, #tpu.memory_space<vmem>>) attributes {dimension_semantics = [], scalar_prefetch = 0 : i64, scratch_operands = 0 : i64, tpu.core_type = #tpu.core_type<tc>} {
    %get3A = arith.constant 0 : index
    %get3A_0 = arith.constant 0 : index
    %get3A_1 = vector.load %arg0[%get3A, %get3A_0] : memref<10000x128xf32, #tpu.memory_space<vmem>>, vector<10000x128xf32>
    %get3A_2 = arith.constant 0 : index
    %get3A_3 = arith.constant 0 : index
    %get3A_4 = vector.load %arg1[%get3A_2, %get3A_3] : memref<128x128xf32, #tpu.memory_space<vmem>>, vector<128x128xf32>
    %get3A_5 = arith.constant 0 : index
    %get3A_6 = arith.constant 0 : index
    %get3A_7 = vector.load %arg2[%get3A_5, %get3A_6] : memref<1x128xf32, #tpu.memory_space<vmem>>, vector<1x128xf32>
    %get3A_8 = arith.constant 0 : index
    %get3A_9 = arith.constant 0 : index
    %get3A_10 = vector.load %arg3[%get3A_8, %get3A_9] : memref<128x128xf32, #tpu.memory_space<vmem>>, vector<128x128xf32>
    %get3A_11 = arith.constant 0 : index
    %get3A_12 = arith.constant 0 : index
    %get3A_13 = vector.load %arg4[%get3A_11, %get3A_12] : memref<1x128xf32, #tpu.memory_space<vmem>>, vector<1x128xf32>
    %dot_general3A = arith.constant dense<0.000000e+00> : vector<10000x128xf32>
    %dot_general3A_14 = tpu.matmul %get3A_1, %get3A_4, %dot_general3A {dimension_numbers = #tpu.dot_dimension_numbers<[1], [0], [0], [1], [0, 0, 1, 1], [], []>, transpose_lhs_hint = false} : vector<10000x128xf32>, vector<128x128xf32>, vector<10000x128xf32> -> vector<10000x128xf32>
    %add3A = vector.broadcast %get3A_7 : vector<1x128xf32> to vector<10000x128xf32>
    %add3A_15 = arith.addf %dot_general3A_14, %add3A : vector<10000x128xf32>
    %max3A = arith.constant 0.000000e+00 : f32
    %max3A_16 = vector.broadcast %max3A : f32 to vector<10000x128xf32>
    %max3A_17 = arith.maximumf %add3A_15, %max3A_16 : vector<10000x128xf32>
    %dot_general3A_18 = arith.constant dense<0.000000e+00> : vector<10000x128xf32>
    %dot_general3A_19 = tpu.matmul %max3A_17, %get3A_10, %dot_general3A_18 {dimension_numbers = #tpu.dot_dimension_numbers<[1], [0], [0], [1], [0, 0, 1, 1], [], []>, transpose_lhs_hint = false} : vector<10000x128xf32>, vector<128x128xf32>, vector<10000x128xf32> -> vector<10000x128xf32>
    %add3A_20 = vector.broadcast %get3A_13 : vector<1x128xf32> to vector<10000x128xf32>
    %add3A_21 = arith.addf %dot_general3A_19, %add3A_20 : vector<10000x128xf32>
    %max3A_22 = arith.constant 0.000000e+00 : f32
    %max3A_23 = vector.broadcast %max3A_22 : f32 to vector<10000x128xf32>
    %max3A_24 = arith.maximumf %add3A_21, %max3A_23 : vector<10000x128xf32>
    %get3A_25 = arith.constant 0 : index
    %get3A_26 = arith.constant 0 : index
    %get3A_27 = vector.load %arg5[%get3A_25, %get3A_26] : memref<1x128xf32, #tpu.memory_space<vmem>>, vector<1x128xf32>
    %get3A_28 = arith.constant 0 : index
    %get3A_29 = arith.constant 0 : index
    %get3A_30 = vector.load %arg6[%get3A_28, %get3A_29] : memref<1x128xf32, #tpu.memory_space<vmem>>, vector<1x128xf32>
    %reduce_sum3A = arith.constant dense<0.000000e+00> : vector<128xf32>
    %reduce_sum3A_31 = vector.multi_reduction <add>, %max3A_24, %reduce_sum3A [0] : vector<10000x128xf32> to vector<128xf32>
    %broadcast_in_dim3A = vector.shape_cast %reduce_sum3A_31 : vector<128xf32> to vector<1x128xf32>
    %div3A = arith.constant 1.000000e+04 : f32
    %div3A_32 = vector.broadcast %div3A : f32 to vector<1x128xf32>
    %div3A_33 = arith.divf %broadcast_in_dim3A, %div3A_32 : vector<1x128xf32>
    %sub3A = vector.broadcast %div3A_33 : vector<1x128xf32> to vector<10000x128xf32>
    %sub3A_34 = arith.subf %max3A_24, %sub3A : vector<10000x128xf32>
    %integer_pow3A = arith.mulf %sub3A_34, %sub3A_34 : vector<10000x128xf32>
    %reduce_sum3A_35 = arith.constant dense<0.000000e+00> : vector<128xf32>
    %reduce_sum3A_36 = vector.multi_reduction <add>, %integer_pow3A, %reduce_sum3A_35 [0] : vector<10000x128xf32> to vector<128xf32>
    %broadcast_in_dim3A_37 = vector.shape_cast %reduce_sum3A_36 : vector<128xf32> to vector<1x128xf32>
    %div3A_38 = arith.constant 1.000000e+04 : f32
    %div3A_39 = vector.broadcast %div3A_38 : f32 to vector<1x128xf32>
    %div3A_40 = arith.divf %broadcast_in_dim3A_37, %div3A_39 : vector<1x128xf32>
    %sub3A_41 = vector.broadcast %div3A_33 : vector<1x128xf32> to vector<10000x128xf32>
    %sub3A_42 = arith.subf %max3A_24, %sub3A_41 : vector<10000x128xf32>
    %add3A_43 = arith.constant 9.99999974E-6 : f32
    %add3A_44 = vector.broadcast %add3A_43 : f32 to vector<1x128xf32>
    %add3A_45 = arith.addf %div3A_40, %add3A_44 : vector<1x128xf32>
    %rsqrt3A = math.rsqrt %add3A_45 : vector<1x128xf32>
    %mul3A = vector.broadcast %rsqrt3A : vector<1x128xf32> to vector<10000x128xf32>
    %mul3A_46 = arith.mulf %sub3A_42, %mul3A : vector<10000x128xf32>
    %mul3A_47 = vector.broadcast %get3A_27 : vector<1x128xf32> to vector<10000x128xf32>
    %mul3A_48 = arith.mulf %mul3A_46, %mul3A_47 : vector<10000x128xf32>
    %add3A_49 = vector.broadcast %get3A_30 : vector<1x128xf32> to vector<10000x128xf32>
    %add3A_50 = arith.addf %mul3A_48, %add3A_49 : vector<10000x128xf32>
    %swap3A = arith.constant 0 : index
    %swap3A_51 = arith.constant 0 : index
    %swap3A_52 = vector.load %arg7[%swap3A, %swap3A_51] : memref<10000x128xf32, #tpu.memory_space<vmem>>, vector<10000x128xf32>
    tpu.vector_store %arg7[%swap3A, %swap3A_51], %add3A_50 {strides = array<i32>} : memref<10000x128xf32, #tpu.memory_space<vmem>>, vector<10000x128xf32>,
    return
  }
}

module attributes {stable_mosaic.version = 14 : i64} {
  func.func @_layer_body(%arg0: memref<10000x128xf32, #tpu.memory_space<vmem>>, %arg1: memref<128x128xf32, #tpu.memory_space<vmem>>, %arg2: memref<1x128xf32, #tpu.memory_space<vmem>>, %arg3: memref<128x128xf32, #tpu.memory_space<vmem>>, %arg4: memref<1x128xf32, #tpu.memory_space<vmem>>, %arg5: memref<1x128xf32, #tpu.memory_space<vmem>>, %arg6: memref<1x128xf32, #tpu.memory_space<vmem>>, %arg7: memref<10000x128xf32, #tpu.memory_space<vmem>>) attributes {dimension_semantics = [], scalar_prefetch = 0 : i64, scratch_operands = 0 : i64, tpu.core_type = #tpu.core_type<tc>} {
    %get3A = arith.constant 0 : index
    %get3A_0 = arith.constant 0 : index
    %get3A_1 = vector.load %arg0[%get3A, %get3A_0] : memref<10000x128xf32, #tpu.memory_space<vmem>>, vector<10000x128xf32>
    %get3A_2 = arith.constant 0 : index
    %get3A_3 = arith.constant 0 : index
    %get3A_4 = vector.load %arg1[%get3A_2, %get3A_3] : memref<128x128xf32, #tpu.memory_space<vmem>>, vector<128x128xf32>
    %get3A_5 = arith.constant 0 : index
    %get3A_6 = arith.constant 0 : index
    %get3A_7 = vector.load %arg2[%get3A_5, %get3A_6] : memref<1x128xf32, #tpu.memory_space<vmem>>, vector<1x128xf32>
    %get3A_8 = arith.constant 0 : index
    %get3A_9 = arith.constant 0 : index
    %get3A_10 = vector.load %arg3[%get3A_8, %get3A_9] : memref<128x128xf32, #tpu.memory_space<vmem>>, vector<128x128xf32>
    %get3A_11 = arith.constant 0 : index
    %get3A_12 = arith.constant 0 : index
    %get3A_13 = vector.load %arg4[%get3A_11, %get3A_12] : memref<1x128xf32, #tpu.memory_space<vmem>>, vector<1x128xf32>
    %dot_general3A = arith.constant dense<0.000000e+00> : vector<10000x128xf32>
    %dot_general3A_14 = tpu.matmul %get3A_1, %get3A_4, %dot_general3A {dimension_numbers = #tpu.dot_dimension_numbers<[1], [0], [0], [1], [0, 0, 1, 1], [], []>, transpose_lhs_hint = false} : vector<10000x128xf32>, vector<128x128xf32>, vector<10000x128xf32> -> vector<10000x128xf32>
    %add3A = vector.broadcast %get3A_7 : vector<1x128xf32> to vector<10000x128xf32>
    %add3A_15 = arith.addf %dot_general3A_14, %add3A : vector<10000x128xf32>
    %max3A = arith.constant 0.000000e+00 : f32
    %max3A_16 = vector.broadcast %max3A : f32 to vector<10000x128xf32>
    %max3A_17 = arith.maximumf %add3A_15, %max3A_16 : vector<10000x128xf32>
    %dot_general3A_18 = arith.constant dense<0.000000e+00> : vector<10000x128xf32>
    %dot_general3A_19 = tpu.matmul %max3A_17, %get3A_10, %dot_general3A_18 {dimension_numbers = #tpu.dot_dimension_numbers<[1], [0], [0], [1], [0, 0, 1, 1], [], []>, transpose_lhs_hint = false} : vector<10000x128xf32>, vector<128x128xf32>, vector<10000x128xf32> -> vector<10000x128xf32>
    %add3A_20 = vector.broadcast %get3A_13 : vector<1x128xf32> to vector<10000x128xf32>
    %add3A_21 = arith.addf %dot_general3A_19, %add3A_20 : vector<10000x128xf32>
    %tanh3A = math.tanh %add3A_21 : vector<10000x128xf32>
    %get3A_22 = arith.constant 0 : index
    %get3A_23 = arith.constant 0 : index
    %get3A_24 = vector.load %arg5[%get3A_22, %get3A_23] : memref<1x128xf32, #tpu.memory_space<vmem>>, vector<1x128xf32>
    %get3A_25 = arith.constant 0 : index
    %get3A_26 = arith.constant 0 : index
    %get3A_27 = vector.load %arg6[%get3A_25, %get3A_26] : memref<1x128xf32, #tpu.memory_space<vmem>>, vector<1x128xf32>
    %reduce_sum3A = arith.constant dense<0.000000e+00> : vector<128xf32>
    %reduce_sum3A_28 = vector.multi_reduction <add>, %tanh3A, %reduce_sum3A [0] : vector<10000x128xf32> to vector<128xf32>
    %broadcast_in_dim3A = vector.shape_cast %reduce_sum3A_28 : vector<128xf32> to vector<1x128xf32>
    %div3A = arith.constant 1.000000e+04 : f32
    %div3A_29 = vector.broadcast %div3A : f32 to vector<1x128xf32>
    %div3A_30 = arith.divf %broadcast_in_dim3A, %div3A_29 : vector<1x128xf32>
    %sub3A = vector.broadcast %div3A_30 : vector<1x128xf32> to vector<10000x128xf32>
    %sub3A_31 = arith.subf %tanh3A, %sub3A : vector<10000x128xf32>
    %integer_pow3A = arith.mulf %sub3A_31, %sub3A_31 : vector<10000x128xf32>
    %reduce_sum3A_32 = arith.constant dense<0.000000e+00> : vector<128xf32>
    %reduce_sum3A_33 = vector.multi_reduction <add>, %integer_pow3A, %reduce_sum3A_32 [0] : vector<10000x128xf32> to vector<128xf32>
    %broadcast_in_dim3A_34 = vector.shape_cast %reduce_sum3A_33 : vector<128xf32> to vector<1x128xf32>
    %div3A_35 = arith.constant 1.000000e+04 : f32
    %div3A_36 = vector.broadcast %div3A_35 : f32 to vector<1x128xf32>
    %div3A_37 = arith.divf %broadcast_in_dim3A_34, %div3A_36 : vector<1x128xf32>
    %sub3A_38 = vector.broadcast %div3A_30 : vector<1x128xf32> to vector<10000x128xf32>
    %sub3A_39 = arith.subf %tanh3A, %sub3A_38 : vector<10000x128xf32>
    %add3A_40 = arith.constant 9.99999974E-6 : f32
    %add3A_41 = vector.broadcast %add3A_40 : f32 to vector<1x128xf32>
    %add3A_42 = arith.addf %div3A_37, %add3A_41 : vector<1x128xf32>
    %rsqrt3A = math.rsqrt %add3A_42 : vector<1x128xf32>
    %mul3A = vector.broadcast %rsqrt3A : vector<1x128xf32> to vector<10000x128xf32>
    %mul3A_43 = arith.mulf %sub3A_39, %mul3A : vector<10000x128xf32>
    %mul3A_44 = vector.broadcast %get3A_24 : vector<1x128xf32> to vector<10000x128xf32>
    %mul3A_45 = arith.mulf %mul3A_43, %mul3A_44 : vector<10000x128xf32>
    %add3A_46 = vector.broadcast %get3A_27 : vector<1x128xf32> to vector<10000x128xf32>
    %add3A_47 = arith.addf %mul3A_45, %add3A_46 : vector<10000x128xf32>
    %swap3A = arith.constant 0 : index
    %swap3A_48 = arith.constant 0 : index
    %swap3A_49 = vector.load %arg7[%swap3A, %swap3A_48] : memref<10000x128xf32, #tpu.memory_space<vmem>>, vector<10000x128xf32>
    tpu.vector_store %arg7[%swap3A, %swap3A_48], %add3A_47 {strides = array<i32>} : memref<10000x128xf32, #tpu.memory_space<vmem>>, vector<10000x128xf32>,
    return
  }
}

module attributes {stable_mosaic.version = 14 : i64} {
  func.func @_combine_body(%arg0: memref<10000x128xf32, #tpu.memory_space<vmem>>, %arg1: memref<2x10112x128xf32, #tpu.memory_space<vmem>>, %arg2: memref<10000x128xf32, #tpu.memory_space<vmem>>) attributes {dimension_semantics = [], scalar_prefetch = 0 : i64, scratch_operands = 0 : i64, tpu.core_type = #tpu.core_type<tc>} {
    %get3A = arith.constant 0 : index
    %get3A_0 = arith.constant 0 : index
    %get3A_1 = vector.load %arg0[%get3A, %get3A_0] : memref<10000x128xf32, #tpu.memory_space<vmem>>, vector<10000x128xf32>
    %get3A_2 = arith.constant 0 : index
    %get3A_3 = arith.constant 0 : index
    %get3A_4 = arith.constant 0 : index
    %get3A_5 = vector.load %arg1[%get3A_2, %get3A_3, %get3A_4] : memref<2x10112x128xf32, #tpu.memory_space<vmem>>, vector<1x10000x128xf32>
    %get3A_6 = vector.shape_cast %get3A_5 : vector<1x10000x128xf32> to vector<10000x128xf32>
    %add3A = arith.addf %get3A_1, %get3A_6 : vector<10000x128xf32>
    %get3A_7 = arith.constant 1 : index
    %get3A_8 = arith.constant 0 : index
    %get3A_9 = arith.constant 0 : index
    %get3A_10 = vector.load %arg1[%get3A_7, %get3A_8, %get3A_9] : memref<2x10112x128xf32, #tpu.memory_space<vmem>>, vector<1x10000x128xf32>
    %get3A_11 = vector.shape_cast %get3A_10 : vector<1x10000x128xf32> to vector<10000x128xf32>
    %add3A_12 = arith.addf %add3A, %get3A_11 : vector<10000x128xf32>
    %swap3A = arith.constant 0 : index
    %swap3A_13 = arith.constant 0 : index
    %swap3A_14 = vector.load %arg2[%swap3A, %swap3A_13] : memref<10000x128xf32, #tpu.memory_space<vmem>>, vector<10000x128xf32>
    tpu.vector_store %arg2[%swap3A, %swap3A_13], %add3A_12 {strides = array<i32>} : memref<10000x128xf32, #tpu.memory_space<vmem>>, vector<10000x128xf32>,
    return
  }
}

</mosaic_0001>

<sc_bundles>
// kernel: kernel.17.cloned.1.call-start
scs
__scs_entry_jumppad:
0x0: {  	(pc) =	sbr.rel $0x88, $3  }
0x1: {  	(tag) =	ssettag $0x0;
	lr =	simm.s32 $0x1  }
0x2: {  	[smem:$0x3F99] =	sst lr;
	_ =	strace $0xD0000000  }
0x3: {  	_ = 	snop  }
0x4: {  	_ = 	snop  }
0x5: {  	_ = 	snop  }
0x6: {  	_ = 	snop  }
0x7: {  	_ = 	snop  }
__scs_overlays_trampoline_lowered:
0x8: {  	[smem:$0x3FA8] =	sst s0  }
0x9: {  	[smem:$0x3FA9] =	sst s1  }
0xa: {  	[smem:$0x3FAA] =	sst s2  }
0xb: {  	[smem:$0x3FAB] =	sst s3  }
0xc: {  	[smem:$0x3FAC] =	sst s4  }
0xd: {  	[smem:$0x3FAD] =	sst s5  }
0xe: {  	[smem:$0x3FAE] =	sst s6  }
0xf: {  	[smem:$0x3FAF] =	sst s7  }
0x10: {  	[smem:$0x3FB0] =	sst s8  }
0x11: {  	[smem:$0x3FB1] =	sst s9;
	s0 =	simm.s32 @!p0 $0x0  }
0x12: {  	s1 =	sld [smem:$0x3F97];
	s0 =	simm.s32 @p0 $0x1  }
0x13: {  	[smem:$0x3FB2] =	sst s0;
	s0 =	simm.s32 @!p1 $0x0  }
0x14: {  	s2 =	sld [smem:$0x3F96];
	s0 =	simm.s32 @p1 $0x1  }
0x15: {  	[smem:$0x3FB3] =	sst s0;
	s0 =	simm.s32 @!p2 $0x0  }
0x16: {  	s3 =	sld [smem:$0x3FDB];
	s0 =	simm.s32 @p2 $0x1  }
0x17: {  	s4 =	simm.s32 $0x1BF5;
	[smem:$0x3FB5] =	sst s0  }
0x18: {  	s0 =	sld [smem:$0x3F98];
	_ =	swait.ge [sflag:s4], $0x0  }
0x19: {  	s7 =	sld [smem:$0x3F99]  }
0x1a: {  	s8 =	sadd.s32 $0xFFFFE003, lr  }
0x1b: {  	s9 =	sadd.s32 $0xFFFFFEF7, lr;
	s5 =	simm.s32 $0xFFFFFFFF;
	p2 =	slt.u32 s8, $0xFFFFF086  }
0x1c: {  	p1 =	slt.u32 s9, $0xF7A;
	s5 =	simm.s32 @!p2 $0x0  }
0x1d: {  	s5 =	simm.s32 @p1 $0x1;
	p0 =	seq.s32 s7, s2  }
0x1e: {  	s7 =	smul.u32 @!p0 $0xF7A, s2;
	p2 =	seq.s32 @!p0 s5, $0x0  }
0x1f: {  	s9 =	smul.u32 $0xF7A, s1;
	s8 =	simm.s32 @!p0 $0x1BF5;
	p2 =	por !p2, p0  }
0x20: {  	[sflag:s8] =	ssyncset.s32 @!p0 $0xFFFFF086;
	s6 =	sadd.s32 @!p0 s3, s7;
	s7 =	simm.s32 @!p0 $0x108  }
0x21: {  	s3 =	sadd.s32 s3, s9;
	s6 =	sadd.s32 @!p0 $0x88, s6;
	s7 =	simm.s32 @p2 $0x1082  }
0x22: {  	[simem:s7], [sflag:s8] =	dma.local @!p0 [hbm:s6], $0xF7A  }
0x23: {  	s9 =	sor.u32 $0xD0000000, s2;
	s6 =	simm.s32 $0x108;
	_ =	swait.ge @!p0 [sflag:s8], $0x0  }
0x24: {  	s3 =	sadd.s32 $0x88, s3;
	s6 =	simm.s32 @!p1 $0x1082;
	[sflag:s4] =	ssyncset.s32 $0xFFFFF086  }
0x25: {  	[simem:s6], [sflag:s4] =	dma.local [hbm:s3], $0xF7A  }
0x26: {  	[smem:$0x3F99] =	sst s1;
	(tag) =	ssettag s2;
	_ =	strace s9  }
0x27: {  	s1 =	sld [smem:$0x3FA9]  }
0x28: {  	s2 =	sld [smem:$0x3FAA]  }
0x29: {  	s4 =	sld [smem:$0x3FAC]  }
0x2a: {  	p0 =	seq.s32 s5, $0x0;
	s5 =	sld [smem:$0x3FAD]  }
0x2b: {  	s6 =	sld [smem:$0x3FAE]  }
0x2c: {  	s7 =	sld [smem:$0x3FAF]  }
0x2d: {  	s3 =	simm.s32 $0x108;
	s8 =	sld [smem:$0x3FB0]  }
0x2e: {  	s3 =	simm.s32 @!p0 $0x1082;
	s9 =	sld [smem:$0x3FB1]  }
0x2f: {  	lr =	sadd.s32 s0, s3;
	s0 =	sld [smem:$0x3FA8]  }
0x30: {  	s3 =	sld [smem:$0x3FAB]  }
0x31: {  	[smem:$0x3FB4] =	sst s10  }
0x32: {  	s10 =	sld [smem:$0x3FB2];
	_ =	sdelay $0x3  }
0x33: {  	p0 =	seq.s32 s10, $0x1;
	s10 =	sld [smem:$0x3FB4];
	_ =	sdelay $0x3  }
0x34: {  	[smem:$0x3FB4] =	sst s10  }
0x35: {  	s10 =	sld [smem:$0x3FB3];
	_ =	sdelay $0x3  }
0x36: {  	p1 =	seq.s32 s10, $0x1;
	s10 =	sld [smem:$0x3FB4];
	_ =	sdelay $0x3  }
0x37: {  	[smem:$0x3FB4] =	sst s10  }
0x38: {  	s10 =	sld [smem:$0x3FB5]  }
0x39: {  	_ = 	snop;
	(pc) =	sbr.ind lr, $3  }
0x3a: {  	_ = 	snop  }
0x3b: {  	_ = 	snop  }
0x3c: {  	p2 =	seq.s32 s10, $0x1;
	s10 =	sld [smem:$0x3FB4]  }
0x3d: {  	_ =	shalt  }
0x3e: {  	_ =	shalt  }
0x3f: {  	_ =	shalt  }
0x40: {  	_ =	shalt  }
0x41: {  	_ =	shalt  }
0x42: {  	_ =	shalt  }
0x43: {  	_ =	shalt  }
0x44: {  	_ =	shalt  }
0x45: {  	_ =	shalt  }
0x46: {  	_ =	shalt  }
0x47: {  	_ =	shalt  }
0x48: {  	_ =	shalt  }
0x49: {  	_ =	shalt  }
0x4a: {  	_ =	shalt  }
0x4b: {  	_ =	shalt  }
0x4c: {  	_ =	shalt  }
0x4d: {  	_ =	shalt  }
0x4e: {  	_ =	shalt  }
0x4f: {  	_ =	shalt  }
0x50: {  	_ =	shalt  }
0x51: {  	_ =	shalt  }
0x52: {  	_ =	shalt  }
0x53: {  	_ =	shalt  }
0x54: {  	_ =	shalt  }
0x55: {  	_ =	shalt  }
0x56: {  	_ =	shalt  }
0x57: {  	_ =	shalt  }
0x58: {  	_ =	shalt  }
0x59: {  	_ =	shalt  }
0x5a: {  	_ =	shalt  }
0x5b: {  	_ =	shalt  }
0x5c: {  	_ =	shalt  }
0x5d: {  	_ =	shalt  }
0x5e: {  	_ =	shalt  }
0x5f: {  	_ =	shalt  }
0x60: {  	_ =	shalt  }
0x61: {  	_ =	shalt  }
0x62: {  	_ =	shalt  }
0x63: {  	_ =	shalt  }
0x64: {  	_ =	shalt  }
0x65: {  	_ =	shalt  }
0x66: {  	_ =	shalt  }
0x67: {  	_ =	shalt  }
0x68: {  	_ =	shalt  }
0x69: {  	_ =	shalt  }
0x6a: {  	_ =	shalt  }
0x6b: {  	_ =	shalt  }
0x6c: {  	_ =	shalt  }
0x6d: {  	_ =	shalt  }
0x6e: {  	_ =	shalt  }
0x6f: {  	_ =	shalt  }
0x70: {  	_ =	shalt  }
0x71: {  	_ =	shalt  }
0x72: {  	_ =	shalt  }
0x73: {  	_ =	shalt  }
0x74: {  	_ =	shalt  }
0x75: {  	_ =	shalt  }
0x76: {  	_ =	shalt  }
0x77: {  	_ =	shalt  }
0x78: {  	_ =	shalt  }
0x79: {  	_ =	shalt  }
0x7a: {  	_ =	shalt  }
0x7b: {  	_ =	shalt  }
0x7c: {  	_ =	shalt  }
0x7d: {  	_ =	shalt  }
0x7e: {  	_ =	shalt  }
0x7f: {  	_ =	shalt  }
0x80: {  	_ =	shalt  }
0x81: {  	_ =	shalt  }
0x82: {  	_ =	shalt  }
0x83: {  	_ =	shalt  }
0x84: {  	_ =	shalt  }
0x85: {  	_ =	shalt  }
0x86: {  	_ =	shalt  }
0x87: {  	_ =	shalt  }
.Lfunc_end0:
.L_simem_size_0:
called_computation_lowered:
.L_overlay_start_0:
0x88: {  	s2 =	sld [smem:$0x3FD9]  }
0x89: {  	s3 =	sld [smem:$0x3FFE];
	_ =	sdelay $0x1  }
0x8a: {  	s1 =	srdreg.scid  }
0x8b: {  	s0 =	sand.u32 $0x1, s1  }
0x8c: {  	s14 =	sshll.u32 s0, $0xA;
	s2 =	sadd.s32 s3, s2  }
0x8d: {  	s2 =	sadd.s32 s2, s14  }
0x8e: {  	[smem:$0x3FC0] =	sst s2  }
0x8f: {  	_ = 	snop  }
0x90: {  	s2 =	sld [smem:$0x3FD0];
	_ =	sdelay $0x2  }
0x91: {  	s4 =	simm.s32 $0xA;
	s5 =	simm.s32 $0x10;
	s15 =	sld [smem:$0x3FC9]  }
0x92: {  	[smem:s5], [sflag:s4] =	dma.local [hbm:s2], $0x1  }
0x93: {  	_ =	swait.eq [sflag:s4], $0x1  }
0x94: {  	[sflag:s4] =	ssyncset.done $0x0  }
0x95: {  	s16 =	sld [smem:$0x11];
	[sflag:s4] =	ssyncadd.s32 $0xFFFFFFFF  }
0x96: {  	s17 =	sld [smem:$0x12];
	(tm) =	ssettm $0x1  }
0x97: {  	s18 =	sld [smem:$0x3FFB];
	_ =	sdelay $0x3  }
0x98: {  	_ =	strace s18  }
0x99: {  	s5 =	sld [smem:$0x3FFC];
	_ =	sdelay $0x3  }
0x9a: {  	_ =	strace s5  }
0x9b: {  	s5 =	sld [smem:$0x3FFD];
	_ =	sdelay $0x3  }
0x9c: {  	_ =	strace s5  }
0x9d: {  	_ =	strace $0x8FFFFFFF  }
0x9e: {  	s19 =	sld [smem:$0x3FDB];
	_ =	sdelay $0x1  }
0x9f: {  	s6 =	simm.s32 $_scs_section_size  }
0xa0: {  	s7 =	simm.s32 $_size__tile_overlayer_lowered;
	s8 =	simm.s32 $_tile_overlayer_lowered  }
0xa1: {  	s22 =	simm.s32 $0x1BFF;
	s21 =	sshll.u32 s8, $0x1;
	s5 =	sadd.s32 s6, s19  }
0xa2: {  	s9 =	simm.s32 $0x0;
	s20 =	sshll.u32 s7, $0x1;
	s7 =	sadd.s32 s21, s5  }
0xa3: {  	[timem:s9], [sflag:s22] =	dma.local [hbm:s7], s20  }
0xa4: {  	_ =	swait.ge [sflag:s22], s20  }
0xa5: {  	s6 =	ssub.s32 $0x0, s20;
	[sflag:s22] =	ssyncset.done $0x0  }
0xa6: {  	[sflag:s22] =	ssyncadd.s32 s6;
	_ =	sdelay $0x1  }
0xa7: {  	s23 =	simm.s32 $0x1B8B  }
0xa8: {  	_ =	swait.ge [sflag:s23], $0x1  }
0xa9: {  	[sflag:s23] =	ssyncset.done $0x0  }
0xaa: {  	s25 =	simm.s32 $0x1B8E;
	s24 =	sld [smem:$0x3FFE];
	[sflag:s23] =	ssyncadd.s32 $0xFFFFFFFF  }
0xab: {  	s26 =	simm.s32 $execute0_lowered;
	[smem:$0x3FD2] =	sst s25  }
0xac: {  	s7 =	sshll.u32 s26, $0x1;
	_ =	strace $0x80000046;
	[dreg:$0x1] =	wrdreg $0xFFFFFFFF  }
0xad: {  	s28 =	simm.s32 $_size_execute0_lowered;
	s5 =	sadd.s32 s5, s7;
	[dreg:$0x0] =	wrdreg $0x0  }
0xae: {  	s7 =	sshll.u32 s28, $0x1;
	[dreg:$0x2] =	wrdreg s5  }
0xaf: {  	[dreg:$0x3] =	wrdreg s7  }
0xb0: {  	[dreg:$0x4] =	wrdreg $0xC0  }
0xb1: {  	_ =	task [dreg:s9], $0x5FFFF  }
0xb2: {  	[dreg:$0x1] =	wrdreg $0xFFFFFFFF  }
0xb3: {  	[dreg:$0x0] =	wrdreg $0x60  }
0xb4: {  	[dreg:$0x2] =	wrdreg s15  }
0xb5: {  	[dreg:$0x3] =	wrdreg s17  }
0xb6: {  	[dreg:$0x4] =	wrdreg s16  }
0xb7: {  	[dreg:$0x5] =	wrdreg s24  }
0xb8: {  	[dreg:$0x6] =	wrdreg $0x41000  }
0xb9: {  	[dreg:$0x7] =	wrdreg $0x9  }
0xba: {  	_ =	task.clear_ibuf [dreg:s9], $0x8FFFF;
	_ =	strace $0x90000046  }
0xbb: {  	s29 =	simm.s32 $0x9;
	_ =	strace $0x80000048  }
0xbc: {  	_ =	swait.ge [sflag:s29], $0x1  }
0xbd: {  	[sflag:s29] =	ssyncadd.s32 $0xFFFFFFFF  }
0xbe: {  	_ =	strace $0x90000048  }
0xbf: {  	_ =	sfence  }
0xc0: {  	s30 =	sld [smem:$0x0];
	_ =	sdelay $0x2  }
0xc1: {  	s31 =	sshll.u32 s1, $0xD;
	s1 =	sshrl.u32 s1, $0x2  }
0xc2: {  	s3 =	sand.u32 $0x4000, s31;
	s1 =	sadd.s32 s1, s30  }
0xc3: {  	s0 =	sor.u32 s3, s0;
	s1 =	sshll.u32 s1, $0x11  }
0xc4: {  	s0 =	sor.u32 s1, s0  }
0xc5: {  	s0 =	sadd.s32 $0x8F2B, s0  }
0xc6: {  	[sflag:s0] =	ssyncadd.remote.s32 $0x1  }
0xc7: {  	_ =	sfence.sel $0xFFFF  }
0xc8: {  	[dreg:$0x0] =	wrdreg $0xFFFFFFFF;
	(pc) =	sbr.abs _section_cstart, $3  }
0xc9: {  	[dreg:$0x1] =	wrdreg $0xFFFFFFFF  }
0xca: {  	_ =	task.clear_ibuf [dreg:s9], $0x2FFFF;
	_ =	strace $0x9FFFFFFF  }
0xcb: {  	(tm) =	ssettm $0x7FFFFFFF  }
tec
execute0_lowered:
.L_overlay_start_1:
0x0: {  	(tag) =	ssettag $0x1  }
0x1: {  	s1 =	rddreg [dreg:$0x0]  }
0x2: {  	s8 =	rddreg [dreg:$0x1]  }
0x3: {  	s9 =	rddreg [dreg:$0x2]  }
0x4: {  	s5 =	rddreg [dreg:$0x3]  }
0x5: {  	s3 =	rddreg [dreg:$0x4]  }
0x6: {  	s0 =	rddreg [dreg:$0x5];
	s2 =	stileid.u32  }
0x7: {  	s6 =	srdreg.scid;
	s7 =	smul.u32 $0x13C00, s2  }
0x8: {  	s4 =	simm.s32 $0x0;
	s16 =	simm.s32 $0x0;
	s12 =	smul.u32 $0x4F000, s2  }
0x9: {  	s10 =	sand.u32 $0x1, s6;
	[smem:$0x7FF] =	sst s4;
	s15 =	smul.u32 $0x9E0, s2  }
0xa: {  	s30 =	sshll.u32 s2, $0x6;
	s6 =	smul.u32 $0x13C000, s10;
	_ =	strace $0x80000047  }
0xb: {  	s28 =	ssub.s32 $0x2, s10;
	s10 =	smul.u32 $0x4F0, s10;
	s11 =	sshrl.u32 s7, $0x3  }
0xc: {  	s13 =	sshrl.u32 s28, $0x1;
	s29 =	sshrl.u32 s12, $0x2;
	s9 =	sadd.s32 s15, s9  }
0xd: {  	s31 =	sadd.s32 s15, s8;
	s15 =	simm.s32 $0x1;
	s6 =	sadd.s32 s7, s6  }
0xe: {  	s11 =	sadd.s32 s11, s5;
	s13 =	ssub.s32 s28, s13;
	s12 =	sadd.s32 s29, s3  }
0xf: {  	s9 =	sadd.s32 s10, s9;
	s10 =	sadd.s32 s10, s31;
	s6 =	sshrl.u32 s6, $0x3  }
0x10: {  	s8 =	smax.u32 s13, $0x1;
	s13 =	simm.s32 $0x80;
	s14 =	sadd.s32 s6, s5  }
0x11: {  	s5 =	sadd.s32 $0x3600, s11;
	s6 =	sor.u32 $0x1C02, s30;
	s11 =	sshrl.u32 s12, $0x3  }
0x12: {  	s12 =	simm.s32 $0x2;
	s7 =	sadd.s32 $0x2AE00, s14;
	s14 =	simm.s32 $0x100  }
.LBB2_1:
0x13: {  	[spmem:s11], [sflag:s6] =	dma.local [hbm:s5], $0x2780  }
0x14: {  	_ =	swait.ge [sflag:s12], $0x2780  }
0x15: {  	[sflag:s12] =	ssyncset.done $0x0  }
0x16: {  	[sflag:s12] =	ssyncadd.s32 $0xFFFFD880  }
0x17: {  	s17 =	sadd.s32 $0x0, s10;
	[bflag:$0x0] =	sbarrier.arrive $0xFFFF  }
0x18: {  	[tilespmem:s4], [sflag:$0x2] =	stream.linear.gather [hbm4b:s17+s4], $0x80, $0x38;
	[tilespmem:$0x17D00] =	vst v63  }
0x19: {  	_ =	swait.ge [sflag:s12], $0x80  }
0x1a: {  	[sflag:s12] =	ssyncset.done $0x0  }
0x1b: {  	s31 =	sadd.s32 $0x0, s9;
	[sflag:s12] =	ssyncadd.s32 $0xFFFFFF80  }
0x1c: {  	[tilespmem:s13], [sflag:$0x2] =	stream.linear.gather [hbm4b:s31+s4], $0x80, $0x38;
	[tilespmem:$0x17D00] =	vst v63  }
0x1d: {  	_ =	swait.ge [sflag:s12], $0x80  }
0x1e: {  	[sflag:s12] =	ssyncset.done $0x0  }
0x1f: {  	[sflag:s12] =	ssyncadd.s32 $0xFFFFFF80  }
0x20: {  	[tilespmem:s14], [sflag:$0x1] =	stream.indirect.gather [hbm4b:s1+s13], $0x80, s4, s13, $0xb8;
	[tilespmem:$0x17D00] =	vst v63  }
0x21: {  	_ =	swait.ge [sflag:s15], $0x4000  }
0x22: {  	[sflag:s15] =	ssyncset.done $0x0  }
0x23: {  	[sflag:s15] =	ssyncadd.s32 $0xFFFFC000  }
0x24: {  	[spmem:s3] =	stream.indirect.scatter.add.f32 [tilespmem:s14], [sflag:$0x2], $0x80, s13, s13, $0xb8;
	[tilespmem:$0x17D00] =	vst v63  }
0x25: {  	_ =	swait.ge [sflag:s12], $0x4000  }
0x26: {  	s18 =	simm.s32 $0x20;
	s17 =	simm.s32 $0x10;
	[sflag:s12] =	ssyncset.done $0x0  }
.LBB2_2:
0x27: {  	s19 =	sadd.s32 s17, s10  }
0x28: {  	[sflag:s12] =	ssyncadd.s32 $0xFFFFC000;
	s20 =	smov.u32 s18;
	s21 =	sadd.s32 $0x10, s18  }
0x29: {  	[tilespmem:s4], [sflag:$0x2] =	stream.linear.gather [hbm4b:s19+s4], $0x80, $0x38;
	[tilespmem:$0x17D00] =	vst v63  }
0x2a: {  	p0 =	sne.s32 s18, $0x4E0;
	_ =	swait.ge [sflag:s12], $0x80  }
0x2b: {  	[sflag:s12] =	ssyncset.done $0x0  }
0x2c: {  	s18 =	sadd.s32 s17, s9;
	s17 =	smov.u32 s20;
	[sflag:s12] =	ssyncadd.s32 $0xFFFFFF80  }
0x2d: {  	[tilespmem:s13], [sflag:$0x2] =	stream.linear.gather [hbm4b:s18+s4], $0x80, $0x38;
	[tilespmem:$0x17D00] =	vst v63  }
0x2e: {  	_ =	swait.ge [sflag:s12], $0x80  }
0x2f: {  	[sflag:s12] =	ssyncset.done $0x0  }
0x30: {  	[sflag:s12] =	ssyncadd.s32 $0xFFFFFF80  }
0x31: {  	[tilespmem:s14], [sflag:$0x1] =	stream.indirect.gather [hbm4b:s1+s13], $0x80, s4, s13, $0xb8;
	[tilespmem:$0x17D00] =	vst v63  }
0x32: {  	_ =	swait.ge [sflag:s15], $0x4000  }
.Ltmp0:
0x33: {  	[sflag:s15] =	ssyncset.done $0x0;
	(pc) =	sbr.rel @p0 .LBB2_2-.Ltmp0, $4  }
0x34: {  	[sflag:s15] =	ssyncadd.s32 $0xFFFFC000  }
0x35: {  	[spmem:s3] =	stream.indirect.scatter.add.f32 [tilespmem:s14], [sflag:$0x2], $0x80, s13, s13, $0xb8;
	[tilespmem:$0x17D00] =	vst v63  }
0x36: {  	_ =	swait.ge [sflag:s12], $0x4000  }
0x37: {  	s18 =	smov.u32 s21;
	[sflag:s12] =	ssyncset.done $0x0  }
0x38: {  	s18 =	sadd.s32 s17, s10;
	[sflag:s12] =	ssyncadd.s32 $0xFFFFC000  }
0x39: {  	[tilespmem:s4], [sflag:$0x2] =	stream.linear.gather [hbm4b:s18+s4], $0x80, $0x38;
	[tilespmem:$0x17D00] =	vst v63  }
0x3a: {  	_ =	swait.ge [sflag:s12], $0x80  }
0x3b: {  	[sflag:s12] =	ssyncset.done $0x0  }
0x3c: {  	s31 =	sadd.s32 s17, s9;
	[sflag:s12] =	ssyncadd.s32 $0xFFFFFF80  }
0x3d: {  	[tilespmem:s13], [sflag:$0x2] =	stream.linear.gather [hbm4b:s31+s4], $0x80, $0x38;
	[tilespmem:$0x17D00] =	vst v63  }
0x3e: {  	_ =	swait.ge [sflag:s12], $0x80  }
0x3f: {  	[sflag:s12] =	ssyncset.done $0x0  }
0x40: {  	[sflag:s12] =	ssyncadd.s32 $0xFFFFFF80  }
0x41: {  	[tilespmem:s14], [sflag:$0x1] =	stream.indirect.gather [hbm4b:s1+s13], $0x80, s4, s13, $0xb8;
	[tilespmem:$0x17D00] =	vst v63  }
0x42: {  	_ =	swait.ge [sflag:s15], $0x4000  }
0x43: {  	[sflag:s15] =	ssyncset.done $0x0  }
0x44: {  	[sflag:s15] =	ssyncadd.s32 $0xFFFFC000  }
0x45: {  	[spmem:s3] =	stream.indirect.scatter.add.f32 [tilespmem:s14], [sflag:$0x2], $0x80, s13, s13, $0xb8;
	[tilespmem:$0x17D00] =	vst v63  }
0x46: {  	_ =	swait.ge [sflag:s12], $0x4000  }
0x47: {  	s16 =	sadd.s32 $0x1, s16;
	[sflag:s12] =	ssyncset.done $0x0  }
0x48: {  	p0 =	sne.s32 s16, s8;
	[sflag:s12] =	ssyncadd.s32 $0xFFFFC000  }
.Ltmp1:
0x49: {  	[bflag:$0x0] =	sbarrier.arrive $0xFFFF;
	(pc) =	sbr.rel @p0 .LBB2_1-.Ltmp1, $4  }
0x4a: {  	[hbm:s7], [sflag:s6] =	dma.local [spmem:s11], $0x2780  }
0x4b: {  	_ =	swait.ge [sflag:s12], $0x2780  }
0x4c: {  	[sflag:s12] =	ssyncset.done $0x0  }
0x4d: {  	[sflag:s12] =	ssyncadd.s32 $0xFFFFD880  }
0x4e: {  	_ =	sfence.sel $0x180000  }
0x4f: {  	[bflag:$0x0] =	sbarrier.arrive $0xFFFF  }
0x50: {  	p0 =	sne.s32 s2, $0x0;
	_ =	strace $0x90000047  }
0x51: {  	s0 =	sadd.s32 @!p0 $0x100000, s0;
	[bflag:$0x2] =	sbarrier.arrive $0xFFFF  }
0x52: {  	[sflag:s0] =	ssyncadd.tile.s32 @!p0 $0x1;
	_ =	shalt  }
.Lfunc_end2:
_tile_overlayer_lowered:
.L_overlay_start_2:
0x53: {  	(tag) =	ssettag $0x2  }
0x54: {  	s0 =	rddreg [dreg:$0x0];
	s2 =	stileid.u32  }
0x55: {  	s1 =	rddreg [dreg:$0x1];
	p0 =	sne.s32 s2, $0x0  }
0x56: {  	s3 =	rddreg [dreg:$0x2];
	[bflag:$0x3] =	sbarrier.arrive $0xFFFF;
	s2 =	simm.s32 @!p0 $0x1C02  }
0x57: {  	[timem:s3], [sflag:s2] =	dma.local @!p0 [hbm:s0], s1  }
0x58: {  	s0 =	simm.s32 @!p0 $0x2  }
0x59: {  	_ =	swait.ge @!p0 [sflag:s0], s1  }
0x5a: {  	s1 =	ssub.s32 @!p0 $0x0, s1;
	[sflag:s0] =	ssyncset.done @!p0 $0x0  }
0x5b: {  	[sflag:s0] =	ssyncadd.s32 @!p0 s1  }
0x5c: {  	[bflag:$0x3] =	sbarrier.arrive $0xFFFF  }
0x5d: {  	_ =	shalt  }

// kernel: kernel.20.cloned.1.call-start
scs
__scs_entry_jumppad:
0x0: {  	(pc) =	sbr.rel $0x88, $3  }
0x1: {  	(tag) =	ssettag $0x0;
	lr =	simm.s32 $0x1  }
0x2: {  	[smem:$0x3F99] =	sst lr;
	_ =	strace $0xD0000000  }
0x3: {  	_ = 	snop  }
0x4: {  	_ = 	snop  }
0x5: {  	_ = 	snop  }
0x6: {  	_ = 	snop  }
0x7: {  	_ = 	snop  }
__scs_overlays_trampoline_lowered:
0x8: {  	[smem:$0x3FA8] =	sst s0  }
0x9: {  	[smem:$0x3FA9] =	sst s1  }
0xa: {  	[smem:$0x3FAA] =	sst s2  }
0xb: {  	[smem:$0x3FAB] =	sst s3  }
0xc: {  	[smem:$0x3FAC] =	sst s4  }
0xd: {  	[smem:$0x3FAD] =	sst s5  }
0xe: {  	[smem:$0x3FAE] =	sst s6  }
0xf: {  	[smem:$0x3FAF] =	sst s7  }
0x10: {  	[smem:$0x3FB0] =	sst s8  }
0x11: {  	[smem:$0x3FB1] =	sst s9;
	s0 =	simm.s32 @!p0 $0x0  }
0x12: {  	s1 =	sld [smem:$0x3F97];
	s0 =	simm.s32 @p0 $0x1  }
0x13: {  	[smem:$0x3FB2] =	sst s0;
	s0 =	simm.s32 @!p1 $0x0  }
0x14: {  	s2 =	sld [smem:$0x3F96];
	s0 =	simm.s32 @p1 $0x1  }
0x15: {  	[smem:$0x3FB3] =	sst s0;
	s0 =	simm.s32 @!p2 $0x0  }
0x16: {  	s3 =	sld [smem:$0x3FDB];
	s0 =	simm.s32 @p2 $0x1  }
0x17: {  	s4 =	simm.s32 $0x1BF5;
	[smem:$0x3FB5] =	sst s0  }
0x18: {  	s0 =	sld [smem:$0x3F98];
	_ =	swait.ge [sflag:s4], $0x0  }
0x19: {  	s7 =	sld [smem:$0x3F99]  }
0x1a: {  	s8 =	sadd.s32 $0xFFFFE003, lr  }
0x1b: {  	s9 =	sadd.s32 $0xFFFFFEF7, lr;
	s5 =	simm.s32 $0xFFFFFFFF;
	p2 =	slt.u32 s8, $0xFFFFF086  }
0x1c: {  	p1 =	slt.u32 s9, $0xF7A;
	s5 =	simm.s32 @!p2 $0x0  }
0x1d: {  	s5 =	simm.s32 @p1 $0x1;
	p0 =	seq.s32 s7, s2  }
0x1e: {  	s7 =	smul.u32 @!p0 $0xF7A, s2;
	p2 =	seq.s32 @!p0 s5, $0x0  }
0x1f: {  	s9 =	smul.u32 $0xF7A, s1;
	s8 =	simm.s32 @!p0 $0x1BF5;
	p2 =	por !p2, p0  }
0x20: {  	[sflag:s8] =	ssyncset.s32 @!p0 $0xFFFFF086;
	s6 =	sadd.s32 @!p0 s3, s7;
	s7 =	simm.s32 @!p0 $0x108  }
0x21: {  	s3 =	sadd.s32 s3, s9;
	s6 =	sadd.s32 @!p0 $0x88, s6;
	s7 =	simm.s32 @p2 $0x1082  }
0x22: {  	[simem:s7], [sflag:s8] =	dma.local @!p0 [hbm:s6], $0xF7A  }
0x23: {  	s9 =	sor.u32 $0xD0000000, s2;
	s6 =	simm.s32 $0x108;
	_ =	swait.ge @!p0 [sflag:s8], $0x0  }
0x24: {  	s3 =	sadd.s32 $0x88, s3;
	s6 =	simm.s32 @!p1 $0x1082;
	[sflag:s4] =	ssyncset.s32 $0xFFFFF086  }
0x25: {  	[simem:s6], [sflag:s4] =	dma.local [hbm:s3], $0xF7A  }
0x26: {  	[smem:$0x3F99] =	sst s1;
	(tag) =	ssettag s2;
	_ =	strace s9  }
0x27: {  	s1 =	sld [smem:$0x3FA9]  }
0x28: {  	s2 =	sld [smem:$0x3FAA]  }
0x29: {  	s4 =	sld [smem:$0x3FAC]  }
0x2a: {  	p0 =	seq.s32 s5, $0x0;
	s5 =	sld [smem:$0x3FAD]  }
0x2b: {  	s6 =	sld [smem:$0x3FAE]  }
0x2c: {  	s7 =	sld [smem:$0x3FAF]  }
0x2d: {  	s3 =	simm.s32 $0x108;
	s8 =	sld [smem:$0x3FB0]  }
0x2e: {  	s3 =	simm.s32 @!p0 $0x1082;
	s9 =	sld [smem:$0x3FB1]  }
0x2f: {  	lr =	sadd.s32 s0, s3;
	s0 =	sld [smem:$0x3FA8]  }
0x30: {  	s3 =	sld [smem:$0x3FAB]  }
0x31: {  	[smem:$0x3FB4] =	sst s10  }
0x32: {  	s10 =	sld [smem:$0x3FB2];
	_ =	sdelay $0x3  }
0x33: {  	p0 =	seq.s32 s10, $0x1;
	s10 =	sld [smem:$0x3FB4];
	_ =	sdelay $0x3  }
0x34: {  	[smem:$0x3FB4] =	sst s10  }
0x35: {  	s10 =	sld [smem:$0x3FB3];
	_ =	sdelay $0x3  }
0x36: {  	p1 =	seq.s32 s10, $0x1;
	s10 =	sld [smem:$0x3FB4];
	_ =	sdelay $0x3  }
0x37: {  	[smem:$0x3FB4] =	sst s10  }
0x38: {  	s10 =	sld [smem:$0x3FB5]  }
0x39: {  	_ = 	snop;
	(pc) =	sbr.ind lr, $3  }
0x3a: {  	_ = 	snop  }
0x3b: {  	_ = 	snop  }
0x3c: {  	p2 =	seq.s32 s10, $0x1;
	s10 =	sld [smem:$0x3FB4]  }
0x3d: {  	_ =	shalt  }
0x3e: {  	_ =	shalt  }
0x3f: {  	_ =	shalt  }
0x40: {  	_ =	shalt  }
0x41: {  	_ =	shalt  }
0x42: {  	_ =	shalt  }
0x43: {  	_ =	shalt  }
0x44: {  	_ =	shalt  }
0x45: {  	_ =	shalt  }
0x46: {  	_ =	shalt  }
0x47: {  	_ =	shalt  }
0x48: {  	_ =	shalt  }
0x49: {  	_ =	shalt  }
0x4a: {  	_ =	shalt  }
0x4b: {  	_ =	shalt  }
0x4c: {  	_ =	shalt  }
0x4d: {  	_ =	shalt  }
0x4e: {  	_ =	shalt  }
0x4f: {  	_ =	shalt  }
0x50: {  	_ =	shalt  }
0x51: {  	_ =	shalt  }
0x52: {  	_ =	shalt  }
0x53: {  	_ =	shalt  }
0x54: {  	_ =	shalt  }
0x55: {  	_ =	shalt  }
0x56: {  	_ =	shalt  }
0x57: {  	_ =	shalt  }
0x58: {  	_ =	shalt  }
0x59: {  	_ =	shalt  }
0x5a: {  	_ =	shalt  }
0x5b: {  	_ =	shalt  }
0x5c: {  	_ =	shalt  }
0x5d: {  	_ =	shalt  }
0x5e: {  	_ =	shalt  }
0x5f: {  	_ =	shalt  }
0x60: {  	_ =	shalt  }
0x61: {  	_ =	shalt  }
0x62: {  	_ =	shalt  }
0x63: {  	_ =	shalt  }
0x64: {  	_ =	shalt  }
0x65: {  	_ =	shalt  }
0x66: {  	_ =	shalt  }
0x67: {  	_ =	shalt  }
0x68: {  	_ =	shalt  }
0x69: {  	_ =	shalt  }
0x6a: {  	_ =	shalt  }
0x6b: {  	_ =	shalt  }
0x6c: {  	_ =	shalt  }
0x6d: {  	_ =	shalt  }
0x6e: {  	_ =	shalt  }
0x6f: {  	_ =	shalt  }
0x70: {  	_ =	shalt  }
0x71: {  	_ =	shalt  }
0x72: {  	_ =	shalt  }
0x73: {  	_ =	shalt  }
0x74: {  	_ =	shalt  }
0x75: {  	_ =	shalt  }
0x76: {  	_ =	shalt  }
0x77: {  	_ =	shalt  }
0x78: {  	_ =	shalt  }
0x79: {  	_ =	shalt  }
0x7a: {  	_ =	shalt  }
0x7b: {  	_ =	shalt  }
0x7c: {  	_ =	shalt  }
0x7d: {  	_ =	shalt  }
0x7e: {  	_ =	shalt  }
0x7f: {  	_ =	shalt  }
0x80: {  	_ =	shalt  }
0x81: {  	_ =	shalt  }
0x82: {  	_ =	shalt  }
0x83: {  	_ =	shalt  }
0x84: {  	_ =	shalt  }
0x85: {  	_ =	shalt  }
0x86: {  	_ =	shalt  }
0x87: {  	_ =	shalt  }
.Lfunc_end0:
.L_simem_size_0:
called_computation.1_lowered:
.L_overlay_start_0:
0x88: {  	s2 =	sld [smem:$0x3FD9]  }
0x89: {  	s3 =	sld [smem:$0x3FFE];
	_ =	sdelay $0x1  }
0x8a: {  	s1 =	srdreg.scid  }
0x8b: {  	s0 =	sand.u32 $0x1, s1  }
0x8c: {  	s14 =	sshll.u32 s0, $0xA;
	s2 =	sadd.s32 s3, s2  }
0x8d: {  	s2 =	sadd.s32 s2, s14  }
0x8e: {  	[smem:$0x3FC0] =	sst s2  }
0x8f: {  	_ = 	snop  }
0x90: {  	s2 =	sld [smem:$0x3FD0];
	_ =	sdelay $0x2  }
0x91: {  	s15 =	simm.s32 $0xA;
	s4 =	simm.s32 $0x10  }
0x92: {  	[smem:s4], [sflag:s15] =	dma.local [hbm:s2], $0x1  }
0x93: {  	_ =	swait.eq [sflag:s15], $0x1  }
0x94: {  	s16 =	sld [smem:$0x11];
	[sflag:s15] =	ssyncset.done $0x0  }
0x95: {  	s17 =	sld [smem:$0x12];
	[sflag:s15] =	ssyncadd.s32 $0xFFFFFFFF  }
0x96: {  	s18 =	sld [smem:$0x13];
	(tm) =	ssettm $0x1  }
0x97: {  	s5 =	sld [smem:$0x3FFB];
	_ =	sdelay $0x3  }
0x98: {  	_ =	strace s5  }
0x99: {  	s5 =	sld [smem:$0x3FFC];
	_ =	sdelay $0x3  }
0x9a: {  	_ =	strace s5  }
0x9b: {  	s5 =	sld [smem:$0x3FFD];
	_ =	sdelay $0x3  }
0x9c: {  	_ =	strace s5  }
0x9d: {  	_ =	strace $0x8FFFFFFF  }
0x9e: {  	s19 =	sld [smem:$0x3FDB];
	_ =	sdelay $0x1  }
0x9f: {  	s6 =	simm.s32 $_scs_section_size  }
0xa0: {  	s7 =	simm.s32 $_size__tile_overlayer_lowered;
	s8 =	simm.s32 $_tile_overlayer_lowered  }
0xa1: {  	s22 =	simm.s32 $0x1BFF;
	s21 =	sshll.u32 s8, $0x1;
	s5 =	sadd.s32 s6, s19  }
0xa2: {  	s9 =	simm.s32 $0x0;
	s20 =	sshll.u32 s7, $0x1;
	s7 =	sadd.s32 s21, s5  }
0xa3: {  	[timem:s9], [sflag:s22] =	dma.local [hbm:s7], s20  }
0xa4: {  	_ =	swait.ge [sflag:s22], s20  }
0xa5: {  	s6 =	ssub.s32 $0x0, s20;
	[sflag:s22] =	ssyncset.done $0x0  }
0xa6: {  	[sflag:s22] =	ssyncadd.s32 s6;
	_ =	sdelay $0x1  }
0xa7: {  	s23 =	simm.s32 $0x1B8B  }
0xa8: {  	_ =	swait.ge [sflag:s23], $0x1  }
0xa9: {  	[sflag:s23] =	ssyncset.done $0x0  }
0xaa: {  	s25 =	simm.s32 $0x1B8E;
	s24 =	sld [smem:$0x3FFE];
	[sflag:s23] =	ssyncadd.s32 $0xFFFFFFFF  }
0xab: {  	s26 =	simm.s32 $execute0_lowered;
	[smem:$0x3FD2] =	sst s25  }
0xac: {  	s7 =	sshll.u32 s26, $0x1;
	_ =	strace $0x80000049;
	[dreg:$0x1] =	wrdreg $0xFFFFFFFF  }
0xad: {  	s28 =	simm.s32 $_size_execute0_lowered;
	s5 =	sadd.s32 s5, s7;
	[dreg:$0x0] =	wrdreg $0x0  }
0xae: {  	s7 =	sshll.u32 s28, $0x1;
	[dreg:$0x2] =	wrdreg s5  }
0xaf: {  	[dreg:$0x3] =	wrdreg s7  }
0xb0: {  	[dreg:$0x4] =	wrdreg $0xC0  }
0xb1: {  	_ =	task [dreg:s9], $0x5FFFF  }
0xb2: {  	[dreg:$0x1] =	wrdreg $0xFFFFFFFF  }
0xb3: {  	[dreg:$0x0] =	wrdreg $0x60  }
0xb4: {  	[dreg:$0x2] =	wrdreg s18  }
0xb5: {  	[dreg:$0x3] =	wrdreg s17  }
0xb6: {  	[dreg:$0x4] =	wrdreg s16  }
0xb7: {  	[dreg:$0x5] =	wrdreg s24  }
0xb8: {  	[dreg:$0x6] =	wrdreg $0x41000  }
0xb9: {  	[dreg:$0x7] =	wrdreg $0x9  }
0xba: {  	_ =	task.clear_ibuf [dreg:s9], $0x8FFFF;
	_ =	strace $0x90000049  }
0xbb: {  	s29 =	simm.s32 $0x9;
	_ =	strace $0x8000004B  }
0xbc: {  	_ =	swait.ge [sflag:s29], $0x1  }
0xbd: {  	[sflag:s29] =	ssyncadd.s32 $0xFFFFFFFF  }
0xbe: {  	_ =	strace $0x9000004B  }
0xbf: {  	_ =	sfence  }
0xc0: {  	s30 =	sld [smem:$0x0];
	_ =	sdelay $0x2  }
0xc1: {  	s31 =	sshll.u32 s1, $0xD;
	s1 =	sshrl.u32 s1, $0x2  }
0xc2: {  	s3 =	sand.u32 $0x4000, s31;
	s1 =	sadd.s32 s1, s30  }
0xc3: {  	s0 =	sor.u32 s3, s0;
	s1 =	sshll.u32 s1, $0x11  }
0xc4: {  	s0 =	sor.u32 s1, s0  }
0xc5: {  	s0 =	sadd.s32 $0x8F2B, s0  }
0xc6: {  	[sflag:s0] =	ssyncadd.remote.s32 $0x1  }
0xc7: {  	_ =	sfence.sel $0xFFFF  }
0xc8: {  	[dreg:$0x0] =	wrdreg $0xFFFFFFFF;
	(pc) =	sbr.abs _section_cstart, $3  }
0xc9: {  	[dreg:$0x1] =	wrdreg $0xFFFFFFFF  }
0xca: {  	_ =	task.clear_ibuf [dreg:s9], $0x2FFFF;
	_ =	strace $0x9FFFFFFF  }
0xcb: {  	(tm) =	ssettm $0x7FFFFFFF  }
tec
execute0_lowered:
.L_overlay_start_1:
0x0: {  	(tag) =	ssettag $0x1  }
0x1: {  	s1 =	rddreg [dreg:$0x0]  }
0x2: {  	s8 =	rddreg [dreg:$0x1]  }
0x3: {  	s9 =	rddreg [dreg:$0x2]  }
0x4: {  	s5 =	rddreg [dreg:$0x3]  }
0x5: {  	s3 =	rddreg [dreg:$0x4]  }
0x6: {  	s0 =	rddreg [dreg:$0x5];
	s2 =	stileid.u32  }
0x7: {  	s6 =	srdreg.scid;
	s7 =	smul.u32 $0x13C00, s2  }
0x8: {  	s4 =	simm.s32 $0x0;
	s16 =	simm.s32 $0x0;
	s12 =	smul.u32 $0x4F000, s2  }
0x9: {  	s10 =	sand.u32 $0x1, s6;
	[smem:$0x7FF] =	sst s4;
	s15 =	smul.u32 $0x9E0, s2  }
0xa: {  	s30 =	sshll.u32 s2, $0x6;
	s6 =	smul.u32 $0x13C000, s10;
	_ =	strace $0x8000004A  }
0xb: {  	s28 =	ssub.s32 $0x2, s10;
	s10 =	smul.u32 $0x4F0, s10;
	s11 =	sshrl.u32 s7, $0x3  }
0xc: {  	s13 =	sshrl.u32 s28, $0x1;
	s29 =	sshrl.u32 s12, $0x2;
	s9 =	sadd.s32 s15, s9  }
0xd: {  	s31 =	sadd.s32 s15, s8;
	s15 =	simm.s32 $0x1;
	s6 =	sadd.s32 s7, s6  }
0xe: {  	s11 =	sadd.s32 s11, s5;
	s13 =	ssub.s32 s28, s13;
	s12 =	sadd.s32 s29, s3  }
0xf: {  	s9 =	sadd.s32 s10, s9;
	s10 =	sadd.s32 s10, s31;
	s6 =	sshrl.u32 s6, $0x3  }
0x10: {  	s8 =	smax.u32 s13, $0x1;
	s13 =	simm.s32 $0x80;
	s14 =	sadd.s32 s6, s5  }
0x11: {  	s5 =	sadd.s32 $0x3600, s11;
	s6 =	sor.u32 $0x1C02, s30;
	s11 =	sshrl.u32 s12, $0x3  }
0x12: {  	s12 =	simm.s32 $0x2;
	s7 =	sadd.s32 $0x2AE00, s14;
	s14 =	simm.s32 $0x100  }
.LBB2_1:
0x13: {  	[spmem:s11], [sflag:s6] =	dma.local [hbm:s5], $0x2780  }
0x14: {  	_ =	swait.ge [sflag:s12], $0x2780  }
0x15: {  	[sflag:s12] =	ssyncset.done $0x0  }
0x16: {  	[sflag:s12] =	ssyncadd.s32 $0xFFFFD880  }
0x17: {  	s17 =	sadd.s32 $0x0, s10;
	[bflag:$0x0] =	sbarrier.arrive $0xFFFF  }
0x18: {  	[tilespmem:s4], [sflag:$0x2] =	stream.linear.gather [hbm4b:s17+s4], $0x80, $0x38;
	[tilespmem:$0x17D00] =	vst v63  }
0x19: {  	_ =	swait.ge [sflag:s12], $0x80  }
0x1a: {  	[sflag:s12] =	ssyncset.done $0x0  }
0x1b: {  	s31 =	sadd.s32 $0x0, s9;
	[sflag:s12] =	ssyncadd.s32 $0xFFFFFF80  }
0x1c: {  	[tilespmem:s13], [sflag:$0x2] =	stream.linear.gather [hbm4b:s31+s4], $0x80, $0x38;
	[tilespmem:$0x17D00] =	vst v63  }
0x1d: {  	_ =	swait.ge [sflag:s12], $0x80  }
0x1e: {  	[sflag:s12] =	ssyncset.done $0x0  }
0x1f: {  	[sflag:s12] =	ssyncadd.s32 $0xFFFFFF80  }
0x20: {  	[tilespmem:s14], [sflag:$0x1] =	stream.indirect.gather [hbm4b:s1+s13], $0x80, s4, s13, $0xb8;
	[tilespmem:$0x17D00] =	vst v63  }
0x21: {  	_ =	swait.ge [sflag:s15], $0x4000  }
0x22: {  	[sflag:s15] =	ssyncset.done $0x0  }
0x23: {  	[sflag:s15] =	ssyncadd.s32 $0xFFFFC000  }
0x24: {  	[spmem:s3] =	stream.indirect.scatter.add.f32 [tilespmem:s14], [sflag:$0x2], $0x80, s13, s13, $0xb8;
	[tilespmem:$0x17D00] =	vst v63  }
0x25: {  	_ =	swait.ge [sflag:s12], $0x4000  }
0x26: {  	s18 =	simm.s32 $0x20;
	s17 =	simm.s32 $0x10;
	[sflag:s12] =	ssyncset.done $0x0  }
.LBB2_2:
0x27: {  	s19 =	sadd.s32 s17, s10  }
0x28: {  	[sflag:s12] =	ssyncadd.s32 $0xFFFFC000;
	s20 =	smov.u32 s18;
	s21 =	sadd.s32 $0x10, s18  }
0x29: {  	[tilespmem:s4], [sflag:$0x2] =	stream.linear.gather [hbm4b:s19+s4], $0x80, $0x38;
	[tilespmem:$0x17D00] =	vst v63  }
0x2a: {  	p0 =	sne.s32 s18, $0x4E0;
	_ =	swait.ge [sflag:s12], $0x80  }
0x2b: {  	[sflag:s12] =	ssyncset.done $0x0  }
0x2c: {  	s18 =	sadd.s32 s17, s9;
	s17 =	smov.u32 s20;
	[sflag:s12] =	ssyncadd.s32 $0xFFFFFF80  }
0x2d: {  	[tilespmem:s13], [sflag:$0x2] =	stream.linear.gather [hbm4b:s18+s4], $0x80, $0x38;
	[tilespmem:$0x17D00] =	vst v63  }
0x2e: {  	_ =	swait.ge [sflag:s12], $0x80  }
0x2f: {  	[sflag:s12] =	ssyncset.done $0x0  }
0x30: {  	[sflag:s12] =	ssyncadd.s32 $0xFFFFFF80  }
0x31: {  	[tilespmem:s14], [sflag:$0x1] =	stream.indirect.gather [hbm4b:s1+s13], $0x80, s4, s13, $0xb8;
	[tilespmem:$0x17D00] =	vst v63  }
0x32: {  	_ =	swait.ge [sflag:s15], $0x4000  }
.Ltmp0:
0x33: {  	[sflag:s15] =	ssyncset.done $0x0;
	(pc) =	sbr.rel @p0 .LBB2_2-.Ltmp0, $4  }
0x34: {  	[sflag:s15] =	ssyncadd.s32 $0xFFFFC000  }
0x35: {  	[spmem:s3] =	stream.indirect.scatter.add.f32 [tilespmem:s14], [sflag:$0x2], $0x80, s13, s13, $0xb8;
	[tilespmem:$0x17D00] =	vst v63  }
0x36: {  	_ =	swait.ge [sflag:s12], $0x4000  }
0x37: {  	s18 =	smov.u32 s21;
	[sflag:s12] =	ssyncset.done $0x0  }
0x38: {  	s18 =	sadd.s32 s17, s10;
	[sflag:s12] =	ssyncadd.s32 $0xFFFFC000  }
0x39: {  	[tilespmem:s4], [sflag:$0x2] =	stream.linear.gather [hbm4b:s18+s4], $0x80, $0x38;
	[tilespmem:$0x17D00] =	vst v63  }
0x3a: {  	_ =	swait.ge [sflag:s12], $0x80  }
0x3b: {  	[sflag:s12] =	ssyncset.done $0x0  }
0x3c: {  	s31 =	sadd.s32 s17, s9;
	[sflag:s12] =	ssyncadd.s32 $0xFFFFFF80  }
0x3d: {  	[tilespmem:s13], [sflag:$0x2] =	stream.linear.gather [hbm4b:s31+s4], $0x80, $0x38;
	[tilespmem:$0x17D00] =	vst v63  }
0x3e: {  	_ =	swait.ge [sflag:s12], $0x80  }
0x3f: {  	[sflag:s12] =	ssyncset.done $0x0  }
0x40: {  	[sflag:s12] =	ssyncadd.s32 $0xFFFFFF80  }
0x41: {  	[tilespmem:s14], [sflag:$0x1] =	stream.indirect.gather [hbm4b:s1+s13], $0x80, s4, s13, $0xb8;
	[tilespmem:$0x17D00] =	vst v63  }
0x42: {  	_ =	swait.ge [sflag:s15], $0x4000  }
0x43: {  	[sflag:s15] =	ssyncset.done $0x0  }
0x44: {  	[sflag:s15] =	ssyncadd.s32 $0xFFFFC000  }
0x45: {  	[spmem:s3] =	stream.indirect.scatter.add.f32 [tilespmem:s14], [sflag:$0x2], $0x80, s13, s13, $0xb8;
	[tilespmem:$0x17D00] =	vst v63  }
0x46: {  	_ =	swait.ge [sflag:s12], $0x4000  }
0x47: {  	s16 =	sadd.s32 $0x1, s16;
	[sflag:s12] =	ssyncset.done $0x0  }
0x48: {  	p0 =	sne.s32 s16, s8;
	[sflag:s12] =	ssyncadd.s32 $0xFFFFC000  }
.Ltmp1:
0x49: {  	[bflag:$0x0] =	sbarrier.arrive $0xFFFF;
	(pc) =	sbr.rel @p0 .LBB2_1-.Ltmp1, $4  }
0x4a: {  	[hbm:s7], [sflag:s6] =	dma.local [spmem:s11], $0x2780  }
0x4b: {  	_ =	swait.ge [sflag:s12], $0x2780  }
0x4c: {  	[sflag:s12] =	ssyncset.done $0x0  }
0x4d: {  	[sflag:s12] =	ssyncadd.s32 $0xFFFFD880  }
0x4e: {  	_ =	sfence.sel $0x180000  }
0x4f: {  	[bflag:$0x0] =	sbarrier.arrive $0xFFFF  }
0x50: {  	p0 =	sne.s32 s2, $0x0;
	_ =	strace $0x9000004A  }
0x51: {  	s0 =	sadd.s32 @!p0 $0x100000, s0;
	[bflag:$0x2] =	sbarrier.arrive $0xFFFF  }
0x52: {  	[sflag:s0] =	ssyncadd.tile.s32 @!p0 $0x1;
	_ =	shalt  }
.Lfunc_end2:
_tile_overlayer_lowered:
.L_overlay_start_2:
0x53: {  	(tag) =	ssettag $0x2  }
0x54: {  	s0 =	rddreg [dreg:$0x0];
	s2 =	stileid.u32  }
0x55: {  	s1 =	rddreg [dreg:$0x1];
	p0 =	sne.s32 s2, $0x0  }
0x56: {  	s3 =	rddreg [dreg:$0x2];
	[bflag:$0x3] =	sbarrier.arrive $0xFFFF;
	s2 =	simm.s32 @!p0 $0x1C02  }
0x57: {  	[timem:s3], [sflag:s2] =	dma.local @!p0 [hbm:s0], s1  }
0x58: {  	s0 =	simm.s32 @!p0 $0x2  }
0x59: {  	_ =	swait.ge @!p0 [sflag:s0], s1  }
0x5a: {  	s1 =	ssub.s32 @!p0 $0x0, s1;
	[sflag:s0] =	ssyncset.done @!p0 $0x0  }
0x5b: {  	[sflag:s0] =	ssyncadd.s32 @!p0 s1  }
0x5c: {  	[bflag:$0x3] =	sbarrier.arrive $0xFFFF  }
0x5d: {  	_ =	shalt  }

// kernel: kernel.23.cloned.1.call-start
scs
__scs_entry_jumppad:
0x0: {  	(pc) =	sbr.rel $0x88, $3  }
0x1: {  	(tag) =	ssettag $0x0;
	lr =	simm.s32 $0x1  }
0x2: {  	[smem:$0x3F99] =	sst lr;
	_ =	strace $0xD0000000  }
0x3: {  	_ = 	snop  }
0x4: {  	_ = 	snop  }
0x5: {  	_ = 	snop  }
0x6: {  	_ = 	snop  }
0x7: {  	_ = 	snop  }
__scs_overlays_trampoline_lowered:
0x8: {  	[smem:$0x3FA8] =	sst s0  }
0x9: {  	[smem:$0x3FA9] =	sst s1  }
0xa: {  	[smem:$0x3FAA] =	sst s2  }
0xb: {  	[smem:$0x3FAB] =	sst s3  }
0xc: {  	[smem:$0x3FAC] =	sst s4  }
0xd: {  	[smem:$0x3FAD] =	sst s5  }
0xe: {  	[smem:$0x3FAE] =	sst s6  }
0xf: {  	[smem:$0x3FAF] =	sst s7  }
0x10: {  	[smem:$0x3FB0] =	sst s8  }
0x11: {  	[smem:$0x3FB1] =	sst s9;
	s0 =	simm.s32 @!p0 $0x0  }
0x12: {  	s1 =	sld [smem:$0x3F97];
	s0 =	simm.s32 @p0 $0x1  }
0x13: {  	[smem:$0x3FB2] =	sst s0;
	s0 =	simm.s32 @!p1 $0x0  }
0x14: {  	s2 =	sld [smem:$0x3F96];
	s0 =	simm.s32 @p1 $0x1  }
0x15: {  	[smem:$0x3FB3] =	sst s0;
	s0 =	simm.s32 @!p2 $0x0  }
0x16: {  	s3 =	sld [smem:$0x3FDB];
	s0 =	simm.s32 @p2 $0x1  }
0x17: {  	s4 =	simm.s32 $0x1BF5;
	[smem:$0x3FB5] =	sst s0  }
0x18: {  	s0 =	sld [smem:$0x3F98];
	_ =	swait.ge [sflag:s4], $0x0  }
0x19: {  	s7 =	sld [smem:$0x3F99]  }
0x1a: {  	s8 =	sadd.s32 $0xFFFFE003, lr  }
0x1b: {  	s9 =	sadd.s32 $0xFFFFFEF7, lr;
	s5 =	simm.s32 $0xFFFFFFFF;
	p2 =	slt.u32 s8, $0xFFFFF086  }
0x1c: {  	p1 =	slt.u32 s9, $0xF7A;
	s5 =	simm.s32 @!p2 $0x0  }
0x1d: {  	s5 =	simm.s32 @p1 $0x1;
	p0 =	seq.s32 s7, s2  }
0x1e: {  	s7 =	smul.u32 @!p0 $0xF7A, s2;
	p2 =	seq.s32 @!p0 s5, $0x0  }
0x1f: {  	s9 =	smul.u32 $0xF7A, s1;
	s8 =	simm.s32 @!p0 $0x1BF5;
	p2 =	por !p2, p0  }
0x20: {  	[sflag:s8] =	ssyncset.s32 @!p0 $0xFFFFF086;
	s6 =	sadd.s32 @!p0 s3, s7;
	s7 =	simm.s32 @!p0 $0x108  }
0x21: {  	s3 =	sadd.s32 s3, s9;
	s6 =	sadd.s32 @!p0 $0x88, s6;
	s7 =	simm.s32 @p2 $0x1082  }
0x22: {  	[simem:s7], [sflag:s8] =	dma.local @!p0 [hbm:s6], $0xF7A  }
0x23: {  	s9 =	sor.u32 $0xD0000000, s2;
	s6 =	simm.s32 $0x108;
	_ =	swait.ge @!p0 [sflag:s8], $0x0  }
0x24: {  	s3 =	sadd.s32 $0x88, s3;
	s6 =	simm.s32 @!p1 $0x1082;
	[sflag:s4] =	ssyncset.s32 $0xFFFFF086  }
0x25: {  	[simem:s6], [sflag:s4] =	dma.local [hbm:s3], $0xF7A  }
0x26: {  	[smem:$0x3F99] =	sst s1;
	(tag) =	ssettag s2;
	_ =	strace s9  }
0x27: {  	s1 =	sld [smem:$0x3FA9]  }
0x28: {  	s2 =	sld [smem:$0x3FAA]  }
0x29: {  	s4 =	sld [smem:$0x3FAC]  }
0x2a: {  	p0 =	seq.s32 s5, $0x0;
	s5 =	sld [smem:$0x3FAD]  }
0x2b: {  	s6 =	sld [smem:$0x3FAE]  }
0x2c: {  	s7 =	sld [smem:$0x3FAF]  }
0x2d: {  	s3 =	simm.s32 $0x108;
	s8 =	sld [smem:$0x3FB0]  }
0x2e: {  	s3 =	simm.s32 @!p0 $0x1082;
	s9 =	sld [smem:$0x3FB1]  }
0x2f: {  	lr =	sadd.s32 s0, s3;
	s0 =	sld [smem:$0x3FA8]  }
0x30: {  	s3 =	sld [smem:$0x3FAB]  }
0x31: {  	[smem:$0x3FB4] =	sst s10  }
0x32: {  	s10 =	sld [smem:$0x3FB2];
	_ =	sdelay $0x3  }
0x33: {  	p0 =	seq.s32 s10, $0x1;
	s10 =	sld [smem:$0x3FB4];
	_ =	sdelay $0x3  }
0x34: {  	[smem:$0x3FB4] =	sst s10  }
0x35: {  	s10 =	sld [smem:$0x3FB3];
	_ =	sdelay $0x3  }
0x36: {  	p1 =	seq.s32 s10, $0x1;
	s10 =	sld [smem:$0x3FB4];
	_ =	sdelay $0x3  }
0x37: {  	[smem:$0x3FB4] =	sst s10  }
0x38: {  	s10 =	sld [smem:$0x3FB5]  }
0x39: {  	_ = 	snop;
	(pc) =	sbr.ind lr, $3  }
0x3a: {  	_ = 	snop  }
0x3b: {  	_ = 	snop  }
0x3c: {  	p2 =	seq.s32 s10, $0x1;
	s10 =	sld [smem:$0x3FB4]  }
0x3d: {  	_ =	shalt  }
0x3e: {  	_ =	shalt  }
0x3f: {  	_ =	shalt  }
0x40: {  	_ =	shalt  }
0x41: {  	_ =	shalt  }
0x42: {  	_ =	shalt  }
0x43: {  	_ =	shalt  }
0x44: {  	_ =	shalt  }
0x45: {  	_ =	shalt  }
0x46: {  	_ =	shalt  }
0x47: {  	_ =	shalt  }
0x48: {  	_ =	shalt  }
0x49: {  	_ =	shalt  }
0x4a: {  	_ =	shalt  }
0x4b: {  	_ =	shalt  }
0x4c: {  	_ =	shalt  }
0x4d: {  	_ =	shalt  }
0x4e: {  	_ =	shalt  }
0x4f: {  	_ =	shalt  }
0x50: {  	_ =	shalt  }
0x51: {  	_ =	shalt  }
0x52: {  	_ =	shalt  }
0x53: {  	_ =	shalt  }
0x54: {  	_ =	shalt  }
0x55: {  	_ =	shalt  }
0x56: {  	_ =	shalt  }
0x57: {  	_ =	shalt  }
0x58: {  	_ =	shalt  }
0x59: {  	_ =	shalt  }
0x5a: {  	_ =	shalt  }
0x5b: {  	_ =	shalt  }
0x5c: {  	_ =	shalt  }
0x5d: {  	_ =	shalt  }
0x5e: {  	_ =	shalt  }
0x5f: {  	_ =	shalt  }
0x60: {  	_ =	shalt  }
0x61: {  	_ =	shalt  }
0x62: {  	_ =	shalt  }
0x63: {  	_ =	shalt  }
0x64: {  	_ =	shalt  }
0x65: {  	_ =	shalt  }
0x66: {  	_ =	shalt  }
0x67: {  	_ =	shalt  }
0x68: {  	_ =	shalt  }
0x69: {  	_ =	shalt  }
0x6a: {  	_ =	shalt  }
0x6b: {  	_ =	shalt  }
0x6c: {  	_ =	shalt  }
0x6d: {  	_ =	shalt  }
0x6e: {  	_ =	shalt  }
0x6f: {  	_ =	shalt  }
0x70: {  	_ =	shalt  }
0x71: {  	_ =	shalt  }
0x72: {  	_ =	shalt  }
0x73: {  	_ =	shalt  }
0x74: {  	_ =	shalt  }
0x75: {  	_ =	shalt  }
0x76: {  	_ =	shalt  }
0x77: {  	_ =	shalt  }
0x78: {  	_ =	shalt  }
0x79: {  	_ =	shalt  }
0x7a: {  	_ =	shalt  }
0x7b: {  	_ =	shalt  }
0x7c: {  	_ =	shalt  }
0x7d: {  	_ =	shalt  }
0x7e: {  	_ =	shalt  }
0x7f: {  	_ =	shalt  }
0x80: {  	_ =	shalt  }
0x81: {  	_ =	shalt  }
0x82: {  	_ =	shalt  }
0x83: {  	_ =	shalt  }
0x84: {  	_ =	shalt  }
0x85: {  	_ =	shalt  }
0x86: {  	_ =	shalt  }
0x87: {  	_ =	shalt  }
.Lfunc_end0:
.L_simem_size_0:
called_computation.2_lowered:
.L_overlay_start_0:
0x88: {  	s2 =	sld [smem:$0x3FD9]  }
0x89: {  	s3 =	sld [smem:$0x3FFE];
	_ =	sdelay $0x1  }
0x8a: {  	s1 =	srdreg.scid  }
0x8b: {  	s0 =	sand.u32 $0x1, s1  }
0x8c: {  	s14 =	sshll.u32 s0, $0xA;
	s2 =	sadd.s32 s3, s2  }
0x8d: {  	s2 =	sadd.s32 s2, s14  }
0x8e: {  	[smem:$0x3FC0] =	sst s2  }
0x8f: {  	_ = 	snop  }
0x90: {  	s2 =	sld [smem:$0x3FD0];
	_ =	sdelay $0x2  }
0x91: {  	s15 =	simm.s32 $0xA;
	s4 =	simm.s32 $0x10  }
0x92: {  	[smem:s4], [sflag:s15] =	dma.local [hbm:s2], $0x1  }
0x93: {  	_ =	swait.eq [sflag:s15], $0x1  }
0x94: {  	s16 =	sld [smem:$0x11];
	[sflag:s15] =	ssyncset.done $0x0  }
0x95: {  	s17 =	sld [smem:$0x12];
	[sflag:s15] =	ssyncadd.s32 $0xFFFFFFFF  }
0x96: {  	s18 =	sld [smem:$0x13];
	(tm) =	ssettm $0x1  }
0x97: {  	s5 =	sld [smem:$0x3FFB];
	_ =	sdelay $0x3  }
0x98: {  	_ =	strace s5  }
0x99: {  	s5 =	sld [smem:$0x3FFC];
	_ =	sdelay $0x3  }
0x9a: {  	_ =	strace s5  }
0x9b: {  	s5 =	sld [smem:$0x3FFD];
	_ =	sdelay $0x3  }
0x9c: {  	_ =	strace s5  }
0x9d: {  	_ =	strace $0x8FFFFFFF  }
0x9e: {  	s19 =	sld [smem:$0x3FDB];
	_ =	sdelay $0x1  }
0x9f: {  	s6 =	simm.s32 $_scs_section_size  }
0xa0: {  	s7 =	simm.s32 $_size__tile_overlayer_lowered;
	s8 =	simm.s32 $_tile_overlayer_lowered  }
0xa1: {  	s22 =	simm.s32 $0x1BFF;
	s21 =	sshll.u32 s8, $0x1;
	s5 =	sadd.s32 s6, s19  }
0xa2: {  	s9 =	simm.s32 $0x0;
	s20 =	sshll.u32 s7, $0x1;
	s7 =	sadd.s32 s21, s5  }
0xa3: {  	[timem:s9], [sflag:s22] =	dma.local [hbm:s7], s20  }
0xa4: {  	_ =	swait.ge [sflag:s22], s20  }
0xa5: {  	s6 =	ssub.s32 $0x0, s20;
	[sflag:s22] =	ssyncset.done $0x0  }
0xa6: {  	[sflag:s22] =	ssyncadd.s32 s6;
	_ =	sdelay $0x1  }
0xa7: {  	s23 =	simm.s32 $0x1B8B  }
0xa8: {  	_ =	swait.ge [sflag:s23], $0x1  }
0xa9: {  	[sflag:s23] =	ssyncset.done $0x0  }
0xaa: {  	s25 =	simm.s32 $0x1B8E;
	s24 =	sld [smem:$0x3FFE];
	[sflag:s23] =	ssyncadd.s32 $0xFFFFFFFF  }
0xab: {  	s26 =	simm.s32 $execute0_lowered;
	[smem:$0x3FD2] =	sst s25  }
0xac: {  	s7 =	sshll.u32 s26, $0x1;
	_ =	strace $0x8000004C;
	[dreg:$0x1] =	wrdreg $0xFFFFFFFF  }
0xad: {  	s28 =	simm.s32 $_size_execute0_lowered;
	s5 =	sadd.s32 s5, s7;
	[dreg:$0x0] =	wrdreg $0x0  }
0xae: {  	s7 =	sshll.u32 s28, $0x1;
	[dreg:$0x2] =	wrdreg s5  }
0xaf: {  	[dreg:$0x3] =	wrdreg s7  }
0xb0: {  	[dreg:$0x4] =	wrdreg $0xC0  }
0xb1: {  	_ =	task [dreg:s9], $0x5FFFF  }
0xb2: {  	[dreg:$0x1] =	wrdreg $0xFFFFFFFF  }
0xb3: {  	[dreg:$0x0] =	wrdreg $0x60  }
0xb4: {  	[dreg:$0x2] =	wrdreg s18  }
0xb5: {  	[dreg:$0x3] =	wrdreg s17  }
0xb6: {  	[dreg:$0x4] =	wrdreg s16  }
0xb7: {  	[dreg:$0x5] =	wrdreg s24  }
0xb8: {  	[dreg:$0x6] =	wrdreg $0x41000  }
0xb9: {  	[dreg:$0x7] =	wrdreg $0x9  }
0xba: {  	_ =	task.clear_ibuf [dreg:s9], $0x8FFFF;
	_ =	strace $0x9000004C  }
0xbb: {  	s29 =	simm.s32 $0x9;
	_ =	strace $0x8000004E  }
0xbc: {  	_ =	swait.ge [sflag:s29], $0x1  }
0xbd: {  	[sflag:s29] =	ssyncadd.s32 $0xFFFFFFFF  }
0xbe: {  	_ =	strace $0x9000004E  }
0xbf: {  	_ =	sfence  }
0xc0: {  	s30 =	sld [smem:$0x0];
	_ =	sdelay $0x2  }
0xc1: {  	s31 =	sshll.u32 s1, $0xD;
	s1 =	sshrl.u32 s1, $0x2  }
0xc2: {  	s3 =	sand.u32 $0x4000, s31;
	s1 =	sadd.s32 s1, s30  }
0xc3: {  	s0 =	sor.u32 s3, s0;
	s1 =	sshll.u32 s1, $0x11  }
0xc4: {  	s0 =	sor.u32 s1, s0  }
0xc5: {  	s0 =	sadd.s32 $0x8F2B, s0  }
0xc6: {  	[sflag:s0] =	ssyncadd.remote.s32 $0x1  }
0xc7: {  	_ =	sfence.sel $0xFFFF  }
0xc8: {  	[dreg:$0x0] =	wrdreg $0xFFFFFFFF;
	(pc) =	sbr.abs _section_cstart, $3  }
0xc9: {  	[dreg:$0x1] =	wrdreg $0xFFFFFFFF  }
0xca: {  	_ =	task.clear_ibuf [dreg:s9], $0x2FFFF;
	_ =	strace $0x9FFFFFFF  }
0xcb: {  	(tm) =	ssettm $0x7FFFFFFF  }
tec
execute0_lowered:
.L_overlay_start_1:
0x0: {  	(tag) =	ssettag $0x1  }
0x1: {  	s1 =	rddreg [dreg:$0x0]  }
0x2: {  	s8 =	rddreg [dreg:$0x1]  }
0x3: {  	s9 =	rddreg [dreg:$0x2]  }
0x4: {  	s5 =	rddreg [dreg:$0x3]  }
0x5: {  	s3 =	rddreg [dreg:$0x4]  }
0x6: {  	s0 =	rddreg [dreg:$0x5];
	s2 =	stileid.u32  }
0x7: {  	s6 =	srdreg.scid;
	s7 =	smul.u32 $0x13C00, s2  }
0x8: {  	s4 =	simm.s32 $0x0;
	s16 =	simm.s32 $0x0;
	s12 =	smul.u32 $0x4F000, s2  }
0x9: {  	s10 =	sand.u32 $0x1, s6;
	[smem:$0x7FF] =	sst s4;
	s15 =	smul.u32 $0x9E0, s2  }
0xa: {  	s30 =	sshll.u32 s2, $0x6;
	s6 =	smul.u32 $0x13C000, s10;
	_ =	strace $0x8000004D  }
0xb: {  	s28 =	ssub.s32 $0x2, s10;
	s10 =	smul.u32 $0x4F0, s10;
	s11 =	sshrl.u32 s7, $0x3  }
0xc: {  	s13 =	sshrl.u32 s28, $0x1;
	s29 =	sshrl.u32 s12, $0x2;
	s9 =	sadd.s32 s15, s9  }
0xd: {  	s31 =	sadd.s32 s15, s8;
	s15 =	simm.s32 $0x1;
	s6 =	sadd.s32 s7, s6  }
0xe: {  	s11 =	sadd.s32 s11, s5;
	s13 =	ssub.s32 s28, s13;
	s12 =	sadd.s32 s29, s3  }
0xf: {  	s9 =	sadd.s32 s10, s9;
	s10 =	sadd.s32 s10, s31;
	s6 =	sshrl.u32 s6, $0x3  }
0x10: {  	s8 =	smax.u32 s13, $0x1;
	s13 =	simm.s32 $0x80;
	s14 =	sadd.s32 s6, s5  }
0x11: {  	s5 =	sadd.s32 $0x3600, s11;
	s6 =	sor.u32 $0x1C02, s30;
	s11 =	sshrl.u32 s12, $0x3  }
0x12: {  	s12 =	simm.s32 $0x2;
	s7 =	sadd.s32 $0x2AE00, s14;
	s14 =	simm.s32 $0x100  }
.LBB2_1:
0x13: {  	[spmem:s11], [sflag:s6] =	dma.local [hbm:s5], $0x2780  }
0x14: {  	_ =	swait.ge [sflag:s12], $0x2780  }
0x15: {  	[sflag:s12] =	ssyncset.done $0x0  }
0x16: {  	[sflag:s12] =	ssyncadd.s32 $0xFFFFD880  }
0x17: {  	s17 =	sadd.s32 $0x0, s10;
	[bflag:$0x0] =	sbarrier.arrive $0xFFFF  }
0x18: {  	[tilespmem:s4], [sflag:$0x2] =	stream.linear.gather [hbm4b:s17+s4], $0x80, $0x38;
	[tilespmem:$0x17D00] =	vst v63  }
0x19: {  	_ =	swait.ge [sflag:s12], $0x80  }
0x1a: {  	[sflag:s12] =	ssyncset.done $0x0  }
0x1b: {  	s31 =	sadd.s32 $0x0, s9;
	[sflag:s12] =	ssyncadd.s32 $0xFFFFFF80  }
0x1c: {  	[tilespmem:s13], [sflag:$0x2] =	stream.linear.gather [hbm4b:s31+s4], $0x80, $0x38;
	[tilespmem:$0x17D00] =	vst v63  }
0x1d: {  	_ =	swait.ge [sflag:s12], $0x80  }
0x1e: {  	[sflag:s12] =	ssyncset.done $0x0  }
0x1f: {  	[sflag:s12] =	ssyncadd.s32 $0xFFFFFF80  }
0x20: {  	[tilespmem:s14], [sflag:$0x1] =	stream.indirect.gather [hbm4b:s1+s13], $0x80, s4, s13, $0xb8;
	[tilespmem:$0x17D00] =	vst v63  }
0x21: {  	_ =	swait.ge [sflag:s15], $0x4000  }
0x22: {  	[sflag:s15] =	ssyncset.done $0x0  }
0x23: {  	[sflag:s15] =	ssyncadd.s32 $0xFFFFC000  }
0x24: {  	[spmem:s3] =	stream.indirect.scatter.add.f32 [tilespmem:s14], [sflag:$0x2], $0x80, s13, s13, $0xb8;
	[tilespmem:$0x17D00] =	vst v63  }
0x25: {  	_ =	swait.ge [sflag:s12], $0x4000  }
0x26: {  	s18 =	simm.s32 $0x20;
	s17 =	simm.s32 $0x10;
	[sflag:s12] =	ssyncset.done $0x0  }
.LBB2_2:
0x27: {  	s19 =	sadd.s32 s17, s10  }
0x28: {  	[sflag:s12] =	ssyncadd.s32 $0xFFFFC000;
	s20 =	smov.u32 s18;
	s21 =	sadd.s32 $0x10, s18  }
0x29: {  	[tilespmem:s4], [sflag:$0x2] =	stream.linear.gather [hbm4b:s19+s4], $0x80, $0x38;
	[tilespmem:$0x17D00] =	vst v63  }
0x2a: {  	p0 =	sne.s32 s18, $0x4E0;
	_ =	swait.ge [sflag:s12], $0x80  }
0x2b: {  	[sflag:s12] =	ssyncset.done $0x0  }
0x2c: {  	s18 =	sadd.s32 s17, s9;
	s17 =	smov.u32 s20;
	[sflag:s12] =	ssyncadd.s32 $0xFFFFFF80  }
0x2d: {  	[tilespmem:s13], [sflag:$0x2] =	stream.linear.gather [hbm4b:s18+s4], $0x80, $0x38;
	[tilespmem:$0x17D00] =	vst v63  }
0x2e: {  	_ =	swait.ge [sflag:s12], $0x80  }
0x2f: {  	[sflag:s12] =	ssyncset.done $0x0  }
0x30: {  	[sflag:s12] =	ssyncadd.s32 $0xFFFFFF80  }
0x31: {  	[tilespmem:s14], [sflag:$0x1] =	stream.indirect.gather [hbm4b:s1+s13], $0x80, s4, s13, $0xb8;
	[tilespmem:$0x17D00] =	vst v63  }
0x32: {  	_ =	swait.ge [sflag:s15], $0x4000  }
.Ltmp0:
0x33: {  	[sflag:s15] =	ssyncset.done $0x0;
	(pc) =	sbr.rel @p0 .LBB2_2-.Ltmp0, $4  }
0x34: {  	[sflag:s15] =	ssyncadd.s32 $0xFFFFC000  }
0x35: {  	[spmem:s3] =	stream.indirect.scatter.add.f32 [tilespmem:s14], [sflag:$0x2], $0x80, s13, s13, $0xb8;
	[tilespmem:$0x17D00] =	vst v63  }
0x36: {  	_ =	swait.ge [sflag:s12], $0x4000  }
0x37: {  	s18 =	smov.u32 s21;
	[sflag:s12] =	ssyncset.done $0x0  }
0x38: {  	s18 =	sadd.s32 s17, s10;
	[sflag:s12] =	ssyncadd.s32 $0xFFFFC000  }
0x39: {  	[tilespmem:s4], [sflag:$0x2] =	stream.linear.gather [hbm4b:s18+s4], $0x80, $0x38;
	[tilespmem:$0x17D00] =	vst v63  }
0x3a: {  	_ =	swait.ge [sflag:s12], $0x80  }
0x3b: {  	[sflag:s12] =	ssyncset.done $0x0  }
0x3c: {  	s31 =	sadd.s32 s17, s9;
	[sflag:s12] =	ssyncadd.s32 $0xFFFFFF80  }
0x3d: {  	[tilespmem:s13], [sflag:$0x2] =	stream.linear.gather [hbm4b:s31+s4], $0x80, $0x38;
	[tilespmem:$0x17D00] =	vst v63  }
0x3e: {  	_ =	swait.ge [sflag:s12], $0x80  }
0x3f: {  	[sflag:s12] =	ssyncset.done $0x0  }
0x40: {  	[sflag:s12] =	ssyncadd.s32 $0xFFFFFF80  }
0x41: {  	[tilespmem:s14], [sflag:$0x1] =	stream.indirect.gather [hbm4b:s1+s13], $0x80, s4, s13, $0xb8;
	[tilespmem:$0x17D00] =	vst v63  }
0x42: {  	_ =	swait.ge [sflag:s15], $0x4000  }
0x43: {  	[sflag:s15] =	ssyncset.done $0x0  }
0x44: {  	[sflag:s15] =	ssyncadd.s32 $0xFFFFC000  }
0x45: {  	[spmem:s3] =	stream.indirect.scatter.add.f32 [tilespmem:s14], [sflag:$0x2], $0x80, s13, s13, $0xb8;
	[tilespmem:$0x17D00] =	vst v63  }
0x46: {  	_ =	swait.ge [sflag:s12], $0x4000  }
0x47: {  	s16 =	sadd.s32 $0x1, s16;
	[sflag:s12] =	ssyncset.done $0x0  }
0x48: {  	p0 =	sne.s32 s16, s8;
	[sflag:s12] =	ssyncadd.s32 $0xFFFFC000  }
.Ltmp1:
0x49: {  	[bflag:$0x0] =	sbarrier.arrive $0xFFFF;
	(pc) =	sbr.rel @p0 .LBB2_1-.Ltmp1, $4  }
0x4a: {  	[hbm:s7], [sflag:s6] =	dma.local [spmem:s11], $0x2780  }
0x4b: {  	_ =	swait.ge [sflag:s12], $0x2780  }
0x4c: {  	[sflag:s12] =	ssyncset.done $0x0  }
0x4d: {  	[sflag:s12] =	ssyncadd.s32 $0xFFFFD880  }
0x4e: {  	_ =	sfence.sel $0x180000  }
0x4f: {  	[bflag:$0x0] =	sbarrier.arrive $0xFFFF  }
0x50: {  	p0 =	sne.s32 s2, $0x0;
	_ =	strace $0x9000004D  }
0x51: {  	s0 =	sadd.s32 @!p0 $0x100000, s0;
	[bflag:$0x2] =	sbarrier.arrive $0xFFFF  }
0x52: {  	[sflag:s0] =	ssyncadd.tile.s32 @!p0 $0x1;
	_ =	shalt  }
.Lfunc_end2:
_tile_overlayer_lowered:
.L_overlay_start_2:
0x53: {  	(tag) =	ssettag $0x2  }
0x54: {  	s0 =	rddreg [dreg:$0x0];
	s2 =	stileid.u32  }
0x55: {  	s1 =	rddreg [dreg:$0x1];
	p0 =	sne.s32 s2, $0x0  }
0x56: {  	s3 =	rddreg [dreg:$0x2];
	[bflag:$0x3] =	sbarrier.arrive $0xFFFF;
	s2 =	simm.s32 @!p0 $0x1C02  }
0x57: {  	[timem:s3], [sflag:s2] =	dma.local @!p0 [hbm:s0], s1  }
0x58: {  	s0 =	simm.s32 @!p0 $0x2  }
0x59: {  	_ =	swait.ge @!p0 [sflag:s0], s1  }
0x5a: {  	s1 =	ssub.s32 @!p0 $0x0, s1;
	[sflag:s0] =	ssyncset.done @!p0 $0x0  }
0x5b: {  	[sflag:s0] =	ssyncadd.s32 @!p0 s1  }
0x5c: {  	[bflag:$0x3] =	sbarrier.arrive $0xFFFF  }
0x5d: {  	_ =	shalt  }

// kernel: kernel.26.cloned.1.call-start
scs
__scs_entry_jumppad:
0x0: {  	(pc) =	sbr.rel $0x88, $3  }
0x1: {  	(tag) =	ssettag $0x0;
	lr =	simm.s32 $0x1  }
0x2: {  	[smem:$0x3F99] =	sst lr;
	_ =	strace $0xD0000000  }
0x3: {  	_ = 	snop  }
0x4: {  	_ = 	snop  }
0x5: {  	_ = 	snop  }
0x6: {  	_ = 	snop  }
0x7: {  	_ = 	snop  }
__scs_overlays_trampoline_lowered:
0x8: {  	[smem:$0x3FA8] =	sst s0  }
0x9: {  	[smem:$0x3FA9] =	sst s1  }
0xa: {  	[smem:$0x3FAA] =	sst s2  }
0xb: {  	[smem:$0x3FAB] =	sst s3  }
0xc: {  	[smem:$0x3FAC] =	sst s4  }
0xd: {  	[smem:$0x3FAD] =	sst s5  }
0xe: {  	[smem:$0x3FAE] =	sst s6  }
0xf: {  	[smem:$0x3FAF] =	sst s7  }
0x10: {  	[smem:$0x3FB0] =	sst s8  }
0x11: {  	[smem:$0x3FB1] =	sst s9;
	s0 =	simm.s32 @!p0 $0x0  }
0x12: {  	s1 =	sld [smem:$0x3F97];
	s0 =	simm.s32 @p0 $0x1  }
0x13: {  	[smem:$0x3FB2] =	sst s0;
	s0 =	simm.s32 @!p1 $0x0  }
0x14: {  	s2 =	sld [smem:$0x3F96];
	s0 =	simm.s32 @p1 $0x1  }
0x15: {  	[smem:$0x3FB3] =	sst s0;
	s0 =	simm.s32 @!p2 $0x0  }
0x16: {  	s3 =	sld [smem:$0x3FDB];
	s0 =	simm.s32 @p2 $0x1  }
0x17: {  	s4 =	simm.s32 $0x1BF5;
	[smem:$0x3FB5] =	sst s0  }
0x18: {  	s0 =	sld [smem:$0x3F98];
	_ =	swait.ge [sflag:s4], $0x0  }
0x19: {  	s7 =	sld [smem:$0x3F99]  }
0x1a: {  	s8 =	sadd.s32 $0xFFFFE003, lr  }
0x1b: {  	s9 =	sadd.s32 $0xFFFFFEF7, lr;
	s5 =	simm.s32 $0xFFFFFFFF;
	p2 =	slt.u32 s8, $0xFFFFF086  }
0x1c: {  	p1 =	slt.u32 s9, $0xF7A;
	s5 =	simm.s32 @!p2 $0x0  }
0x1d: {  	s5 =	simm.s32 @p1 $0x1;
	p0 =	seq.s32 s7, s2  }
0x1e: {  	s7 =	smul.u32 @!p0 $0xF7A, s2;
	p2 =	seq.s32 @!p0 s5, $0x0  }
0x1f: {  	s9 =	smul.u32 $0xF7A, s1;
	s8 =	simm.s32 @!p0 $0x1BF5;
	p2 =	por !p2, p0  }
0x20: {  	[sflag:s8] =	ssyncset.s32 @!p0 $0xFFFFF086;
	s6 =	sadd.s32 @!p0 s3, s7;
	s7 =	simm.s32 @!p0 $0x108  }
0x21: {  	s3 =	sadd.s32 s3, s9;
	s6 =	sadd.s32 @!p0 $0x88, s6;
	s7 =	simm.s32 @p2 $0x1082  }
0x22: {  	[simem:s7], [sflag:s8] =	dma.local @!p0 [hbm:s6], $0xF7A  }
0x23: {  	s9 =	sor.u32 $0xD0000000, s2;
	s6 =	simm.s32 $0x108;
	_ =	swait.ge @!p0 [sflag:s8], $0x0  }
0x24: {  	s3 =	sadd.s32 $0x88, s3;
	s6 =	simm.s32 @!p1 $0x1082;
	[sflag:s4] =	ssyncset.s32 $0xFFFFF086  }
0x25: {  	[simem:s6], [sflag:s4] =	dma.local [hbm:s3], $0xF7A  }
0x26: {  	[smem:$0x3F99] =	sst s1;
	(tag) =	ssettag s2;
	_ =	strace s9  }
0x27: {  	s1 =	sld [smem:$0x3FA9]  }
0x28: {  	s2 =	sld [smem:$0x3FAA]  }
0x29: {  	s4 =	sld [smem:$0x3FAC]  }
0x2a: {  	p0 =	seq.s32 s5, $0x0;
	s5 =	sld [smem:$0x3FAD]  }
0x2b: {  	s6 =	sld [smem:$0x3FAE]  }
0x2c: {  	s7 =	sld [smem:$0x3FAF]  }
0x2d: {  	s3 =	simm.s32 $0x108;
	s8 =	sld [smem:$0x3FB0]  }
0x2e: {  	s3 =	simm.s32 @!p0 $0x1082;
	s9 =	sld [smem:$0x3FB1]  }
0x2f: {  	lr =	sadd.s32 s0, s3;
	s0 =	sld [smem:$0x3FA8]  }
0x30: {  	s3 =	sld [smem:$0x3FAB]  }
0x31: {  	[smem:$0x3FB4] =	sst s10  }
0x32: {  	s10 =	sld [smem:$0x3FB2];
	_ =	sdelay $0x3  }
0x33: {  	p0 =	seq.s32 s10, $0x1;
	s10 =	sld [smem:$0x3FB4];
	_ =	sdelay $0x3  }
0x34: {  	[smem:$0x3FB4] =	sst s10  }
0x35: {  	s10 =	sld [smem:$0x3FB3];
	_ =	sdelay $0x3  }
0x36: {  	p1 =	seq.s32 s10, $0x1;
	s10 =	sld [smem:$0x3FB4];
	_ =	sdelay $0x3  }
0x37: {  	[smem:$0x3FB4] =	sst s10  }
0x38: {  	s10 =	sld [smem:$0x3FB5]  }
0x39: {  	_ = 	snop;
	(pc) =	sbr.ind lr, $3  }
0x3a: {  	_ = 	snop  }
0x3b: {  	_ = 	snop  }
0x3c: {  	p2 =	seq.s32 s10, $0x1;
	s10 =	sld [smem:$0x3FB4]  }
0x3d: {  	_ =	shalt  }
0x3e: {  	_ =	shalt  }
0x3f: {  	_ =	shalt  }
0x40: {  	_ =	shalt  }
0x41: {  	_ =	shalt  }
0x42: {  	_ =	shalt  }
0x43: {  	_ =	shalt  }
0x44: {  	_ =	shalt  }
0x45: {  	_ =	shalt  }
0x46: {  	_ =	shalt  }
0x47: {  	_ =	shalt  }
0x48: {  	_ =	shalt  }
0x49: {  	_ =	shalt  }
0x4a: {  	_ =	shalt  }
0x4b: {  	_ =	shalt  }
0x4c: {  	_ =	shalt  }
0x4d: {  	_ =	shalt  }
0x4e: {  	_ =	shalt  }
0x4f: {  	_ =	shalt  }
0x50: {  	_ =	shalt  }
0x51: {  	_ =	shalt  }
0x52: {  	_ =	shalt  }
0x53: {  	_ =	shalt  }
0x54: {  	_ =	shalt  }
0x55: {  	_ =	shalt  }
0x56: {  	_ =	shalt  }
0x57: {  	_ =	shalt  }
0x58: {  	_ =	shalt  }
0x59: {  	_ =	shalt  }
0x5a: {  	_ =	shalt  }
0x5b: {  	_ =	shalt  }
0x5c: {  	_ =	shalt  }
0x5d: {  	_ =	shalt  }
0x5e: {  	_ =	shalt  }
0x5f: {  	_ =	shalt  }
0x60: {  	_ =	shalt  }
0x61: {  	_ =	shalt  }
0x62: {  	_ =	shalt  }
0x63: {  	_ =	shalt  }
0x64: {  	_ =	shalt  }
0x65: {  	_ =	shalt  }
0x66: {  	_ =	shalt  }
0x67: {  	_ =	shalt  }
0x68: {  	_ =	shalt  }
0x69: {  	_ =	shalt  }
0x6a: {  	_ =	shalt  }
0x6b: {  	_ =	shalt  }
0x6c: {  	_ =	shalt  }
0x6d: {  	_ =	shalt  }
0x6e: {  	_ =	shalt  }
0x6f: {  	_ =	shalt  }
0x70: {  	_ =	shalt  }
0x71: {  	_ =	shalt  }
0x72: {  	_ =	shalt  }
0x73: {  	_ =	shalt  }
0x74: {  	_ =	shalt  }
0x75: {  	_ =	shalt  }
0x76: {  	_ =	shalt  }
0x77: {  	_ =	shalt  }
0x78: {  	_ =	shalt  }
0x79: {  	_ =	shalt  }
0x7a: {  	_ =	shalt  }
0x7b: {  	_ =	shalt  }
0x7c: {  	_ =	shalt  }
0x7d: {  	_ =	shalt  }
0x7e: {  	_ =	shalt  }
0x7f: {  	_ =	shalt  }
0x80: {  	_ =	shalt  }
0x81: {  	_ =	shalt  }
0x82: {  	_ =	shalt  }
0x83: {  	_ =	shalt  }
0x84: {  	_ =	shalt  }
0x85: {  	_ =	shalt  }
0x86: {  	_ =	shalt  }
0x87: {  	_ =	shalt  }
.Lfunc_end0:
.L_simem_size_0:
called_computation.3_lowered:
.L_overlay_start_0:
0x88: {  	s2 =	sld [smem:$0x3FD9]  }
0x89: {  	s3 =	sld [smem:$0x3FFE];
	_ =	sdelay $0x1  }
0x8a: {  	s1 =	srdreg.scid  }
0x8b: {  	s0 =	sand.u32 $0x1, s1  }
0x8c: {  	s14 =	sshll.u32 s0, $0xA;
	s2 =	sadd.s32 s3, s2  }
0x8d: {  	s2 =	sadd.s32 s2, s14  }
0x8e: {  	[smem:$0x3FC0] =	sst s2  }
0x8f: {  	_ = 	snop  }
0x90: {  	s2 =	sld [smem:$0x3FD0];
	_ =	sdelay $0x2  }
0x91: {  	s15 =	simm.s32 $0xA;
	s4 =	simm.s32 $0x10  }
0x92: {  	[smem:s4], [sflag:s15] =	dma.local [hbm:s2], $0x1  }
0x93: {  	_ =	swait.eq [sflag:s15], $0x1  }
0x94: {  	s16 =	sld [smem:$0x11];
	[sflag:s15] =	ssyncset.done $0x0  }
0x95: {  	s17 =	sld [smem:$0x12];
	[sflag:s15] =	ssyncadd.s32 $0xFFFFFFFF  }
0x96: {  	s18 =	sld [smem:$0x13];
	(tm) =	ssettm $0x1  }
0x97: {  	s5 =	sld [smem:$0x3FFB];
	_ =	sdelay $0x3  }
0x98: {  	_ =	strace s5  }
0x99: {  	s5 =	sld [smem:$0x3FFC];
	_ =	sdelay $0x3  }
0x9a: {  	_ =	strace s5  }
0x9b: {  	s5 =	sld [smem:$0x3FFD];
	_ =	sdelay $0x3  }
0x9c: {  	_ =	strace s5  }
0x9d: {  	_ =	strace $0x8FFFFFFF  }
0x9e: {  	s19 =	sld [smem:$0x3FDB];
	_ =	sdelay $0x1  }
0x9f: {  	s6 =	simm.s32 $_scs_section_size  }
0xa0: {  	s7 =	simm.s32 $_size__tile_overlayer_lowered;
	s8 =	simm.s32 $_tile_overlayer_lowered  }
0xa1: {  	s22 =	simm.s32 $0x1BFF;
	s21 =	sshll.u32 s8, $0x1;
	s5 =	sadd.s32 s6, s19  }
0xa2: {  	s9 =	simm.s32 $0x0;
	s20 =	sshll.u32 s7, $0x1;
	s7 =	sadd.s32 s21, s5  }
0xa3: {  	[timem:s9], [sflag:s22] =	dma.local [hbm:s7], s20  }
0xa4: {  	_ =	swait.ge [sflag:s22], s20  }
0xa5: {  	s6 =	ssub.s32 $0x0, s20;
	[sflag:s22] =	ssyncset.done $0x0  }
0xa6: {  	[sflag:s22] =	ssyncadd.s32 s6;
	_ =	sdelay $0x1  }
0xa7: {  	s23 =	simm.s32 $0x1B8B  }
0xa8: {  	_ =	swait.ge [sflag:s23], $0x1  }
0xa9: {  	[sflag:s23] =	ssyncset.done $0x0  }
0xaa: {  	s25 =	simm.s32 $0x1B8E;
	s24 =	sld [smem:$0x3FFE];
	[sflag:s23] =	ssyncadd.s32 $0xFFFFFFFF  }
0xab: {  	s26 =	simm.s32 $execute0_lowered;
	[smem:$0x3FD2] =	sst s25  }
0xac: {  	s7 =	sshll.u32 s26, $0x1;
	_ =	strace $0x8000004F;
	[dreg:$0x1] =	wrdreg $0xFFFFFFFF  }
0xad: {  	s28 =	simm.s32 $_size_execute0_lowered;
	s5 =	sadd.s32 s5, s7;
	[dreg:$0x0] =	wrdreg $0x0  }
0xae: {  	s7 =	sshll.u32 s28, $0x1;
	[dreg:$0x2] =	wrdreg s5  }
0xaf: {  	[dreg:$0x3] =	wrdreg s7  }
0xb0: {  	[dreg:$0x4] =	wrdreg $0xC0  }
0xb1: {  	_ =	task [dreg:s9], $0x5FFFF  }
0xb2: {  	[dreg:$0x1] =	wrdreg $0xFFFFFFFF  }
0xb3: {  	[dreg:$0x0] =	wrdreg $0x60  }
0xb4: {  	[dreg:$0x2] =	wrdreg s18  }
0xb5: {  	[dreg:$0x3] =	wrdreg s17  }
0xb6: {  	[dreg:$0x4] =	wrdreg s16  }
0xb7: {  	[dreg:$0x5] =	wrdreg s24  }
0xb8: {  	[dreg:$0x6] =	wrdreg $0x41000  }
0xb9: {  	[dreg:$0x7] =	wrdreg $0x9  }
0xba: {  	_ =	task.clear_ibuf [dreg:s9], $0x8FFFF;
	_ =	strace $0x9000004F  }
0xbb: {  	s29 =	simm.s32 $0x9;
	_ =	strace $0x80000051  }
0xbc: {  	_ =	swait.ge [sflag:s29], $0x1  }
0xbd: {  	[sflag:s29] =	ssyncadd.s32 $0xFFFFFFFF  }
0xbe: {  	_ =	strace $0x90000051  }
0xbf: {  	_ =	sfence  }
0xc0: {  	s30 =	sld [smem:$0x0];
	_ =	sdelay $0x2  }
0xc1: {  	s31 =	sshll.u32 s1, $0xD;
	s1 =	sshrl.u32 s1, $0x2  }
0xc2: {  	s3 =	sand.u32 $0x4000, s31;
	s1 =	sadd.s32 s1, s30  }
0xc3: {  	s0 =	sor.u32 s3, s0;
	s1 =	sshll.u32 s1, $0x11  }
0xc4: {  	s0 =	sor.u32 s1, s0  }
0xc5: {  	s0 =	sadd.s32 $0x8F2B, s0  }
0xc6: {  	[sflag:s0] =	ssyncadd.remote.s32 $0x1  }
0xc7: {  	_ =	sfence.sel $0xFFFF  }
0xc8: {  	[dreg:$0x0] =	wrdreg $0xFFFFFFFF;
	(pc) =	sbr.abs _section_cstart, $3  }
0xc9: {  	[dreg:$0x1] =	wrdreg $0xFFFFFFFF  }
0xca: {  	_ =	task.clear_ibuf [dreg:s9], $0x2FFFF;
	_ =	strace $0x9FFFFFFF  }
0xcb: {  	(tm) =	ssettm $0x7FFFFFFF  }
tec
execute0_lowered:
.L_overlay_start_1:
0x0: {  	(tag) =	ssettag $0x1  }
0x1: {  	s1 =	rddreg [dreg:$0x0]  }
0x2: {  	s8 =	rddreg [dreg:$0x1]  }
0x3: {  	s9 =	rddreg [dreg:$0x2]  }
0x4: {  	s5 =	rddreg [dreg:$0x3]  }
0x5: {  	s3 =	rddreg [dreg:$0x4]  }
0x6: {  	s0 =	rddreg [dreg:$0x5];
	s2 =	stileid.u32  }
0x7: {  	s6 =	srdreg.scid;
	s7 =	smul.u32 $0x13C00, s2  }
0x8: {  	s4 =	simm.s32 $0x0;
	s16 =	simm.s32 $0x0;
	s12 =	smul.u32 $0x4F000, s2  }
0x9: {  	s10 =	sand.u32 $0x1, s6;
	[smem:$0x7FF] =	sst s4;
	s15 =	smul.u32 $0x9E0, s2  }
0xa: {  	s30 =	sshll.u32 s2, $0x6;
	s6 =	smul.u32 $0x13C000, s10;
	_ =	strace $0x80000050  }
0xb: {  	s28 =	ssub.s32 $0x2, s10;
	s10 =	smul.u32 $0x4F0, s10;
	s11 =	sshrl.u32 s7, $0x3  }
0xc: {  	s13 =	sshrl.u32 s28, $0x1;
	s29 =	sshrl.u32 s12, $0x2;
	s9 =	sadd.s32 s15, s9  }
0xd: {  	s31 =	sadd.s32 s15, s8;
	s15 =	simm.s32 $0x1;
	s6 =	sadd.s32 s7, s6  }
0xe: {  	s11 =	sadd.s32 s11, s5;
	s13 =	ssub.s32 s28, s13;
	s12 =	sadd.s32 s29, s3  }
0xf: {  	s9 =	sadd.s32 s10, s9;
	s10 =	sadd.s32 s10, s31;
	s6 =	sshrl.u32 s6, $0x3  }
0x10: {  	s8 =	smax.u32 s13, $0x1;
	s13 =	simm.s32 $0x80;
	s14 =	sadd.s32 s6, s5  }
0x11: {  	s5 =	sadd.s32 $0x3600, s11;
	s6 =	sor.u32 $0x1C02, s30;
	s11 =	sshrl.u32 s12, $0x3  }
0x12: {  	s12 =	simm.s32 $0x2;
	s7 =	sadd.s32 $0x2AE00, s14;
	s14 =	simm.s32 $0x100  }
.LBB2_1:
0x13: {  	[spmem:s11], [sflag:s6] =	dma.local [hbm:s5], $0x2780  }
0x14: {  	_ =	swait.ge [sflag:s12], $0x2780  }
0x15: {  	[sflag:s12] =	ssyncset.done $0x0  }
0x16: {  	[sflag:s12] =	ssyncadd.s32 $0xFFFFD880  }
0x17: {  	s17 =	sadd.s32 $0x0, s10;
	[bflag:$0x0] =	sbarrier.arrive $0xFFFF  }
0x18: {  	[tilespmem:s4], [sflag:$0x2] =	stream.linear.gather [hbm4b:s17+s4], $0x80, $0x38;
	[tilespmem:$0x17D00] =	vst v63  }
0x19: {  	_ =	swait.ge [sflag:s12], $0x80  }
0x1a: {  	[sflag:s12] =	ssyncset.done $0x0  }
0x1b: {  	s31 =	sadd.s32 $0x0, s9;
	[sflag:s12] =	ssyncadd.s32 $0xFFFFFF80  }
0x1c: {  	[tilespmem:s13], [sflag:$0x2] =	stream.linear.gather [hbm4b:s31+s4], $0x80, $0x38;
	[tilespmem:$0x17D00] =	vst v63  }
0x1d: {  	_ =	swait.ge [sflag:s12], $0x80  }
0x1e: {  	[sflag:s12] =	ssyncset.done $0x0  }
0x1f: {  	[sflag:s12] =	ssyncadd.s32 $0xFFFFFF80  }
0x20: {  	[tilespmem:s14], [sflag:$0x1] =	stream.indirect.gather [hbm4b:s1+s13], $0x80, s4, s13, $0xb8;
	[tilespmem:$0x17D00] =	vst v63  }
0x21: {  	_ =	swait.ge [sflag:s15], $0x4000  }
0x22: {  	[sflag:s15] =	ssyncset.done $0x0  }
0x23: {  	[sflag:s15] =	ssyncadd.s32 $0xFFFFC000  }
0x24: {  	[spmem:s3] =	stream.indirect.scatter.add.f32 [tilespmem:s14], [sflag:$0x2], $0x80, s13, s13, $0xb8;
	[tilespmem:$0x17D00] =	vst v63  }
0x25: {  	_ =	swait.ge [sflag:s12], $0x4000  }
0x26: {  	s18 =	simm.s32 $0x20;
	s17 =	simm.s32 $0x10;
	[sflag:s12] =	ssyncset.done $0x0  }
.LBB2_2:
0x27: {  	s19 =	sadd.s32 s17, s10  }
0x28: {  	[sflag:s12] =	ssyncadd.s32 $0xFFFFC000;
	s20 =	smov.u32 s18;
	s21 =	sadd.s32 $0x10, s18  }
0x29: {  	[tilespmem:s4], [sflag:$0x2] =	stream.linear.gather [hbm4b:s19+s4], $0x80, $0x38;
	[tilespmem:$0x17D00] =	vst v63  }
0x2a: {  	p0 =	sne.s32 s18, $0x4E0;
	_ =	swait.ge [sflag:s12], $0x80  }
0x2b: {  	[sflag:s12] =	ssyncset.done $0x0  }
0x2c: {  	s18 =	sadd.s32 s17, s9;
	s17 =	smov.u32 s20;
	[sflag:s12] =	ssyncadd.s32 $0xFFFFFF80  }
0x2d: {  	[tilespmem:s13], [sflag:$0x2] =	stream.linear.gather [hbm4b:s18+s4], $0x80, $0x38;
	[tilespmem:$0x17D00] =	vst v63  }
0x2e: {  	_ =	swait.ge [sflag:s12], $0x80  }
0x2f: {  	[sflag:s12] =	ssyncset.done $0x0  }
0x30: {  	[sflag:s12] =	ssyncadd.s32 $0xFFFFFF80  }
0x31: {  	[tilespmem:s14], [sflag:$0x1] =	stream.indirect.gather [hbm4b:s1+s13], $0x80, s4, s13, $0xb8;
	[tilespmem:$0x17D00] =	vst v63  }
0x32: {  	_ =	swait.ge [sflag:s15], $0x4000  }
.Ltmp0:
0x33: {  	[sflag:s15] =	ssyncset.done $0x0;
	(pc) =	sbr.rel @p0 .LBB2_2-.Ltmp0, $4  }
0x34: {  	[sflag:s15] =	ssyncadd.s32 $0xFFFFC000  }
0x35: {  	[spmem:s3] =	stream.indirect.scatter.add.f32 [tilespmem:s14], [sflag:$0x2], $0x80, s13, s13, $0xb8;
	[tilespmem:$0x17D00] =	vst v63  }
0x36: {  	_ =	swait.ge [sflag:s12], $0x4000  }
0x37: {  	s18 =	smov.u32 s21;
	[sflag:s12] =	ssyncset.done $0x0  }
0x38: {  	s18 =	sadd.s32 s17, s10;
	[sflag:s12] =	ssyncadd.s32 $0xFFFFC000  }
0x39: {  	[tilespmem:s4], [sflag:$0x2] =	stream.linear.gather [hbm4b:s18+s4], $0x80, $0x38;
	[tilespmem:$0x17D00] =	vst v63  }
0x3a: {  	_ =	swait.ge [sflag:s12], $0x80  }
0x3b: {  	[sflag:s12] =	ssyncset.done $0x0  }
0x3c: {  	s31 =	sadd.s32 s17, s9;
	[sflag:s12] =	ssyncadd.s32 $0xFFFFFF80  }
0x3d: {  	[tilespmem:s13], [sflag:$0x2] =	stream.linear.gather [hbm4b:s31+s4], $0x80, $0x38;
	[tilespmem:$0x17D00] =	vst v63  }
0x3e: {  	_ =	swait.ge [sflag:s12], $0x80  }
0x3f: {  	[sflag:s12] =	ssyncset.done $0x0  }
0x40: {  	[sflag:s12] =	ssyncadd.s32 $0xFFFFFF80  }
0x41: {  	[tilespmem:s14], [sflag:$0x1] =	stream.indirect.gather [hbm4b:s1+s13], $0x80, s4, s13, $0xb8;
	[tilespmem:$0x17D00] =	vst v63  }
0x42: {  	_ =	swait.ge [sflag:s15], $0x4000  }
0x43: {  	[sflag:s15] =	ssyncset.done $0x0  }
0x44: {  	[sflag:s15] =	ssyncadd.s32 $0xFFFFC000  }
0x45: {  	[spmem:s3] =	stream.indirect.scatter.add.f32 [tilespmem:s14], [sflag:$0x2], $0x80, s13, s13, $0xb8;
	[tilespmem:$0x17D00] =	vst v63  }
0x46: {  	_ =	swait.ge [sflag:s12], $0x4000  }
0x47: {  	s16 =	sadd.s32 $0x1, s16;
	[sflag:s12] =	ssyncset.done $0x0  }
0x48: {  	p0 =	sne.s32 s16, s8;
	[sflag:s12] =	ssyncadd.s32 $0xFFFFC000  }
.Ltmp1:
0x49: {  	[bflag:$0x0] =	sbarrier.arrive $0xFFFF;
	(pc) =	sbr.rel @p0 .LBB2_1-.Ltmp1, $4  }
0x4a: {  	[hbm:s7], [sflag:s6] =	dma.local [spmem:s11], $0x2780  }
0x4b: {  	_ =	swait.ge [sflag:s12], $0x2780  }
0x4c: {  	[sflag:s12] =	ssyncset.done $0x0  }
0x4d: {  	[sflag:s12] =	ssyncadd.s32 $0xFFFFD880  }
0x4e: {  	_ =	sfence.sel $0x180000  }
0x4f: {  	[bflag:$0x0] =	sbarrier.arrive $0xFFFF  }
0x50: {  	p0 =	sne.s32 s2, $0x0;
	_ =	strace $0x90000050  }
0x51: {  	s0 =	sadd.s32 @!p0 $0x100000, s0;
	[bflag:$0x2] =	sbarrier.arrive $0xFFFF  }
0x52: {  	[sflag:s0] =	ssyncadd.tile.s32 @!p0 $0x1;
	_ =	shalt  }
.Lfunc_end2:
_tile_overlayer_lowered:
.L_overlay_start_2:
0x53: {  	(tag) =	ssettag $0x2  }
0x54: {  	s0 =	rddreg [dreg:$0x0];
	s2 =	stileid.u32  }
0x55: {  	s1 =	rddreg [dreg:$0x1];
	p0 =	sne.s32 s2, $0x0  }
0x56: {  	s3 =	rddreg [dreg:$0x2];
	[bflag:$0x3] =	sbarrier.arrive $0xFFFF;
	s2 =	simm.s32 @!p0 $0x1C02  }
0x57: {  	[timem:s3], [sflag:s2] =	dma.local @!p0 [hbm:s0], s1  }
0x58: {  	s0 =	simm.s32 @!p0 $0x2  }
0x59: {  	_ =	swait.ge @!p0 [sflag:s0], s1  }
0x5a: {  	s1 =	ssub.s32 @!p0 $0x0, s1;
	[sflag:s0] =	ssyncset.done @!p0 $0x0  }
0x5b: {  	[sflag:s0] =	ssyncadd.s32 @!p0 s1  }
0x5c: {  	[bflag:$0x3] =	sbarrier.arrive $0xFFFF  }
0x5d: {  	_ =	shalt  }

</sc_bundles>
